<compile_context>
chip_gen: v7x
topology: tpu7x:2x2x1
jax: 0.10.2.dev20260603
libtpu: 0.0.44.dev20260713+nightly
codegen_flags: <defaults>
</compile_context>

<pallas_src>
import functools

import jax
import jax.numpy as jnp
from jax import lax
from jax.experimental import pallas as pl
from jax.experimental.pallas import tpu as pltpu
from jax.experimental.pallas import tpu_sc as plsc

_NC = 2
_NS = 16
_NW = _NC * _NS


@functools.lru_cache(maxsize=None)
def _make_sc_agg(n, e, d, k=80):
    assert e % _NW == 0
    epw = e // _NW
    assert epw % k == 0
    iters = epw // k
    n_pad = -(-n // (128 * _NS)) * (128 * _NS)
    rpw = n_pad // _NS

    mesh = plsc.VectorSubcoreMesh(core_axis_name="c", subcore_axis_name="s",
                                  num_cores=_NC, num_subcores=_NS)
    out_type = [jax.ShapeDtypeStruct((_NC, n_pad, d), jnp.float32)]
    scratch = [
        pltpu.VMEM((2, k), jnp.int32),
        pltpu.VMEM((2, k), jnp.int32),
        pltpu.VMEM((2, k, d), jnp.float32),
        pltpu.VMEM_SHARED((n_pad, d), jnp.float32),
        pltpu.SemaphoreType.DMA,
        pltpu.SemaphoreType.DMA,
    ]
    def _pipelined_gather_scatter(x_hbm, src_hbm, dst_hbm, acc_sh,
                                  src2, dst2, rows2, sems, ebase):
        def load_idx(ci, p):
            pltpu.sync_copy(src_hbm.at[pl.ds(ebase + ci * k, k)], src2.at[p])
            pltpu.sync_copy(dst_hbm.at[pl.ds(ebase + ci * k, k)], dst2.at[p])

        def gather_start(p):
            pltpu.async_copy(x_hbm.at[src2.at[p]], rows2.at[p], sems[p])

        def gather_wait(p):
            pltpu.make_async_copy(x_hbm.at[src2.at[p]], rows2.at[p],
                                  sems[p]).wait()

        def scatter(p):
            pltpu.sync_copy(rows2.at[p], acc_sh.at[dst2.at[p]], add=True)

        load_idx(0, 0)
        gather_start(0)

        def body(t, carry):
            a = 2 * t
            b = 2 * t + 1

            @pl.when(b < iters)
            def _():
                load_idx(b, 1)
                gather_start(1)

            gather_wait(0)
            scatter(0)

            @pl.when(a + 2 < iters)
            def _():
                load_idx(a + 2, 0)
                gather_start(0)

            @pl.when(b < iters)
            def _():
                gather_wait(1)
                scatter(1)
            return carry

        lax.fori_loop(0, (iters + 1) // 2, body, 0)

    def body_plain(x_hbm, src_hbm, dst_hbm, zacc_hbm,
                   acc_out,
                   src2, dst2, rows2, acc_sh, sem0, sem1):
        c = lax.axis_index("c")
        s = lax.axis_index("s")
        roff = s * rpw
        pltpu.sync_copy(zacc_hbm.at[pl.ds(roff, rpw)],
                        acc_sh.at[pl.ds(roff, rpw)])
        plsc.subcore_barrier()

        ebase = (c * _NS + s) * epw
        _pipelined_gather_scatter(x_hbm, src_hbm, dst_hbm, acc_sh,
                                  src2, dst2, rows2, (sem0, sem1), ebase)

        plsc.subcore_barrier()
        pltpu.sync_copy(acc_sh.at[pl.ds(roff, rpw)],
                        acc_out.at[c, pl.ds(roff, rpw)])

    return pl.kernel(body_plain, out_type=out_type[0],
                     mesh=mesh, scratch_types=scratch)


def _degree_hist(dst2d, m):
    nchunks = dst2d.shape[0]

    def kern(dr_ref, o_ref):
        lane = lax.broadcasted_iota(jnp.int32, (1, 128), 1)
        subl = lax.broadcasted_iota(jnp.int32, (128, 1), 0)

        def step(g, acc):
            dr = dr_ref[pl.ds(g, 1), :]
            dc = jnp.transpose(dr)
            a = (dc % 128 == lane).astype(jnp.bfloat16)
            bt = (dr // 128 == subl).astype(jnp.bfloat16)
            return acc + jnp.dot(bt, a,
                                 preferred_element_type=jnp.float32)

        o_ref[...] = lax.fori_loop(
            0, nchunks, step, jnp.zeros((128, 128), jnp.float32))

    out = pl.pallas_call(
        kern,
        out_shape=jax.ShapeDtypeStruct((128, 128), jnp.float32),
        name="hist",
    )(dst2d)
    return out.reshape(128 * 128, 1)


def _sage_dense(acc, cnt, x, Wl, Wr, b, blk=1000):
    n, d = x.shape
    h = Wl.shape[1]
    assert n % blk == 0

    def kern(acc_ref, cnt_ref, x_ref, wl_ref, wr_ref, b_ref, o_ref):
        a = acc_ref[0] + acc_ref[1]
        c = cnt_ref[...]
        m = a / jnp.maximum(c, 1.0)
        y = (jnp.dot(m, wl_ref[...], preferred_element_type=jnp.float32,
                     precision=lax.Precision.DEFAULT)
             + jnp.dot(x_ref[...], wr_ref[...],
                       preferred_element_type=jnp.float32,
                       precision=lax.Precision.DEFAULT)
             + b_ref[...])
        o_ref[...] = jnp.maximum(y, 0.0)

    return pl.pallas_call(
        kern,
        grid=(n // blk,),
        in_specs=[
            pl.BlockSpec((_NC, blk, d), lambda i: (0, i, 0)),
            pl.BlockSpec((blk, 1), lambda i: (i, 0)),
            pl.BlockSpec((blk, d), lambda i: (i, 0)),
            pl.BlockSpec((d, h), lambda i: (0, 0)),
            pl.BlockSpec((d, h), lambda i: (0, 0)),
            pl.BlockSpec((1, h), lambda i: (0, 0)),
        ],
        out_specs=pl.BlockSpec((blk, h), lambda i: (i, 0)),
        out_shape=jax.ShapeDtypeStruct((n, h), jnp.float32),
        name="dense1",
    )(acc, cnt, x, Wl, Wr, b)


def _sage_dense_head(acc, cnt, x, Wl, Wr, b, whT, bh, blk=1000):
    n, d = x.shape
    h = Wl.shape[1]
    assert n % blk == 0

    def kern(acc_ref, cnt_ref, x_ref, wl_ref, wr_ref, b_ref, wh_ref, bh_ref,
             o_ref):
        a = acc_ref[0] + acc_ref[1]
        c = cnt_ref[...]
        m = a / jnp.maximum(c, 1.0)
        y = (jnp.dot(m, wl_ref[...], preferred_element_type=jnp.float32,
                     precision=lax.Precision.DEFAULT)
             + jnp.dot(x_ref[...], wr_ref[...],
                       preferred_element_type=jnp.float32,
                       precision=lax.Precision.DEFAULT)
             + b_ref[...])
        h2 = jnp.maximum(y, 0.0)
        o_ref[...] = (jnp.sum(h2 * wh_ref[...], axis=1, keepdims=True)
                      + bh_ref[0:1, 0:1])

    return pl.pallas_call(
        kern,
        grid=(n // blk,),
        in_specs=[
            pl.BlockSpec((_NC, blk, d), lambda i: (0, i, 0)),
            pl.BlockSpec((blk, 1), lambda i: (i, 0)),
            pl.BlockSpec((blk, d), lambda i: (i, 0)),
            pl.BlockSpec((d, h), lambda i: (0, 0)),
            pl.BlockSpec((d, h), lambda i: (0, 0)),
            pl.BlockSpec((1, h), lambda i: (0, 0)),
            pl.BlockSpec((1, h), lambda i: (0, 0)),
            pl.BlockSpec((1, 1), lambda i: (0, 0)),
        ],
        out_specs=pl.BlockSpec((blk, 1), lambda i: (i, 0)),
        out_shape=jax.ShapeDtypeStruct((n, 1), jnp.float32),
        name="dense2head",
    )(acc, cnt, x, Wl, Wr, b, whT, bh)


def kernel(x, edge_index, W1l, b1, W1r, W2l, b2, W2r, Wh, bh):
    n, d = x.shape
    e = edge_index.shape[1]
    h = W1l.shape[1]

    src = edge_index[0]
    dst = edge_index[1]
    n_pad = -(-n // (128 * _NS)) * (128 * _NS)
    zacc = jnp.zeros((n_pad, d), jnp.float32)

    m = 3200
    cnt = _degree_hist(dst.reshape(e // m, m), m)[:n_pad]
    acc1 = _make_sc_agg(n, e, d)(x, src, dst, zacc)
    h1 = _sage_dense(acc1, cnt, x, W1l, W1r, b1.reshape(1, h))
    acc2 = _make_sc_agg(n, e, h)(h1, src, dst, zacc)
    out = _sage_dense_head(acc2, cnt, h1, W2l, W2r, b2.reshape(1, h),
                           Wh.reshape(1, h), bh.reshape(1, 1))
    return out[:, 0]

# --- scband reference (transcript-rebuilt; emitter-appended) ---
"""Pipeline reference for scband-graph-sageregressor-16372415332826 (READ-ONLY COPY).

The authoritative reference and input builder live on the scoring server;
editing this copy changes nothing except your own understanding.
"""

import jax, jax.numpy as jnp
import numpy as np

N = 10000
E = 320000
D = 128
H = 128


def setup_inputs(seed: int = 0) -> dict:
    key = jax.random.key(seed)
    ks = jax.random.split(key, 12)
    x = jax.random.normal(ks[0], (N, D), dtype=jnp.float32)
    edge_index = jax.random.randint(ks[1], (2, E), 0, N, dtype=jnp.int32)
    s1 = 1.0 / np.sqrt(D)
    s2 = 1.0 / np.sqrt(H)
    W1l = jax.random.uniform(ks[2], (D, H), jnp.float32, -s1, s1)
    b1 = jax.random.uniform(ks[3], (H,), jnp.float32, -s1, s1)
    W1r = jax.random.uniform(ks[4], (D, H), jnp.float32, -s1, s1)
    W2l = jax.random.uniform(ks[5], (H, H), jnp.float32, -s2, s2)
    b2 = jax.random.uniform(ks[6], (H,), jnp.float32, -s2, s2)
    W2r = jax.random.uniform(ks[7], (H, H), jnp.float32, -s2, s2)
    Wh = jax.random.uniform(ks[8], (H, 1), jnp.float32, -s2, s2)
    bh = jax.random.uniform(ks[9], (1,), jnp.float32, -s2, s2)
    return {"x": x, "edge_index": edge_index, "W1l": W1l, "b1": b1, "W1r": W1r,
            "W2l": W2l, "b2": b2, "W2r": W2r, "Wh": Wh, "bh": bh}


def _sage_conv(x, edge_index, Wl, b, Wr):
    # PyG SAGEConv with mean aggregation:
    # out = lin_l(mean_{j in N(i)} x_j) + lin_r(x_i)
    src = edge_index[0]
    dst = edge_index[1]
    n = x.shape[0]
    msgs = jnp.take(x, src, axis=0)                      # gather (SparseCore)
    agg = jax.ops.segment_sum(msgs, dst, num_segments=n)  # scatter-add
    cnt = jax.ops.segment_sum(jnp.ones((edge_index.shape[1],), x.dtype), dst, num_segments=n)
    mean = agg / jnp.clip(cnt, 1.0, None)[:, None]
    return mean @ Wl + b + x @ Wr


def reference(x, edge_index, W1l, b1, W1r, W2l, b2, W2r, Wh, bh):
    h = jax.nn.relu(_sage_conv(x, edge_index, W1l, b1, W1r))
    # dropout p=0.0 / eval mode -> identity
    h = jax.nn.relu(_sage_conv(h, edge_index, W2l, b2, W2r))
    out = (h @ Wh + bh)[:, 0]
    return out

if __name__ == "__main__":
    import jax
    _d = setup_inputs()
    print(jax.jit(kernel)(*tuple(_d.values())))

</pallas_src>

<mosaic_0001>
#map = affine_map<(d0, d1) -> (0, 0)>
#map1 = affine_map<(d0, d1) -> (0)>
#map2 = affine_map<(d0, d1) -> (0, 0, 0)>
module attributes {stable_mosaic.version = 14 : i64} {
  func.func @body_plain(%arg0: i32, %arg1: i32, %arg2: memref<10000x128xf32, #tpu.memory_space<hbm>>, %arg3: memref<320000xi32, #tpu.memory_space<hbm>>, %arg4: memref<320000xi32, #tpu.memory_space<hbm>>, %arg5: memref<10240x128xf32, #tpu.memory_space<hbm>>, %arg6: memref<2x10240x128xf32, #tpu.memory_space<hbm>>, %arg7: memref<2x80xi32, #tpu.memory_space<vmem>>, %arg8: memref<2x80xi32, #tpu.memory_space<vmem>>, %arg9: memref<2x80x128xf32, #tpu.memory_space<vmem>>, %arg10: memref<10240x128xf32, #tpu.memory_space<vmem_shared>>, %arg11: memref<!tpu.dma_semaphore, #tpu.memory_space<semaphore_mem>>, %arg12: memref<!tpu.dma_semaphore, #tpu.memory_space<semaphore_mem>>) attributes {dimension_semantics = [#tpu.dimension_semantics<core_parallel>, #tpu.dimension_semantics<subcore_parallel>], iteration_bounds = array<i64: 2, 16>, scalar_prefetch = 0 : i64, scratch_operands = 6 : i64, tpu.core_type = #tpu.core_type<sc_vector_subcore>, window_params = [{transform_indices = #map}, {transform_indices = #map1}, {transform_indices = #map1}, {transform_indices = #map}, {transform_indices = #map2}]} {
    %mul3A = arith.constant 640 : i32
    %mul3A_0 = arith.muli %arg1, %mul3A : i32
    "tpu.region"() ({
      %run_scoped3A_27 = tpu.sem_alloc : memref<!tpu.dma_semaphore, #tpu.memory_space<semaphore_mem>>
      %dma_start3A_28 = arith.constant 0 : i32
      %dma_start3A_29 = tpu.memref_slice %arg10[%mul3A_0, %dma_start3A_28] : memref<10240x128xf32, #tpu.memory_space<vmem_shared>> -> memref<640x128xf32, #tpu.memory_space<vmem_shared>>
      %dma_start3A_30 = arith.constant 0 : i32
      %dma_start3A_31 = tpu.memref_slice %arg5[%mul3A_0, %dma_start3A_30] : memref<10240x128xf32, #tpu.memory_space<hbm>> -> memref<640x128xf32, #tpu.memory_space<hbm>>
      tpu.enqueue_dma source(%dma_start3A_31 : memref<640x128xf32, #tpu.memory_space<hbm>>) target(%dma_start3A_29 : memref<640x128xf32, #tpu.memory_space<vmem_shared>>) target_semaphore(%run_scoped3A_27 : memref<!tpu.dma_semaphore, #tpu.memory_space<semaphore_mem>>)
      %dma_wait3A = arith.constant 0 : i32
      %dma_wait3A_32 = tpu.memref_slice %arg10[%mul3A_0, %dma_wait3A] : memref<10240x128xf32, #tpu.memory_space<vmem_shared>> -> memref<640x128xf32, #tpu.memory_space<vmem_shared>>
      %dma_wait3A_33 = arith.constant 0 : i32
      %dma_wait3A_34 = tpu.memref_slice %arg5[%mul3A_0, %dma_wait3A_33] : memref<10240x128xf32, #tpu.memory_space<hbm>> -> memref<640x128xf32, #tpu.memory_space<hbm>>
      tpu.wait_dma2 semaphore(%run_scoped3A_27 : memref<!tpu.dma_semaphore, #tpu.memory_space<semaphore_mem>>) src(%dma_wait3A_34 : memref<640x128xf32, #tpu.memory_space<hbm>>) dst(%dma_wait3A_32 : memref<640x128xf32, #tpu.memory_space<vmem_shared>>)
      tpu.yield
    }) : () -> ()
    %barrier3A = arith.constant 0 : index
    tpu.barrier barrier_id(%barrier3A)
    %mul3A_1 = arith.constant 16 : i32
    %mul3A_2 = arith.muli %arg0, %mul3A_1 : i32
    %add3A = arith.addi %mul3A_2, %arg1 : i32
    %mul3A_3 = arith.constant 10000 : i32
    %mul3A_4 = arith.muli %add3A, %mul3A_3 : i32
    %add3A_5 = arith.constant 0 : i32
    %add3A_6 = arith.addi %mul3A_4, %add3A_5 : i32
    %run_scoped3A = arith.constant 0 : i32
    "tpu.region"() ({
      %run_scoped3A_27 = tpu.sem_alloc : memref<!tpu.dma_semaphore, #tpu.memory_space<semaphore_mem>>
      %dma_start3A_28 = arith.constant 0 : i32
      %dma_start3A_29 = tpu.memref_slice %arg7[%run_scoped3A, %dma_start3A_28] : memref<2x80xi32, #tpu.memory_space<vmem>> -> memref<1x80xi32, #tpu.memory_space<vmem>>
      %dma_start3A_30 = tpu.memref_squeeze %dma_start3A_29 : memref<1x80xi32, #tpu.memory_space<vmem>> -> memref<80xi32, #tpu.memory_space<vmem>>
      %dma_start3A_31 = tpu.memref_slice %arg3[%add3A_6] : memref<320000xi32, #tpu.memory_space<hbm>> -> memref<80xi32, #tpu.memory_space<hbm>>
      %dma_start3A_32 = arith.constant 0 : i32
      %dma_start3A_33 = tpu.memref_slice %arg7[%run_scoped3A, %dma_start3A_32] : memref<2x80xi32, #tpu.memory_space<vmem>> -> memref<1x80xi32, #tpu.memory_space<vmem>>
      %dma_start3A_34 = tpu.memref_squeeze %dma_start3A_33 : memref<1x80xi32, #tpu.memory_space<vmem>> -> memref<80xi32, #tpu.memory_space<vmem>>
      %dma_start3A_35 = tpu.memref_slice %arg3[%add3A_6] : memref<320000xi32, #tpu.memory_space<hbm>> -> memref<80xi32, #tpu.memory_space<hbm>>
      tpu.enqueue_dma source(%dma_start3A_35 : memref<80xi32, #tpu.memory_space<hbm>>) target(%dma_start3A_34 : memref<80xi32, #tpu.memory_space<vmem>>) target_semaphore(%run_scoped3A_27 : memref<!tpu.dma_semaphore, #tpu.memory_space<semaphore_mem>>)
      %dma_wait3A = arith.constant 0 : i32
      %dma_wait3A_36 = tpu.memref_slice %arg7[%run_scoped3A, %dma_wait3A] : memref<2x80xi32, #tpu.memory_space<vmem>> -> memref<1x80xi32, #tpu.memory_space<vmem>>
      %dma_wait3A_37 = tpu.memref_squeeze %dma_wait3A_36 : memref<1x80xi32, #tpu.memory_space<vmem>> -> memref<80xi32, #tpu.memory_space<vmem>>
      %dma_wait3A_38 = tpu.memref_slice %arg3[%add3A_6] : memref<320000xi32, #tpu.memory_space<hbm>> -> memref<80xi32, #tpu.memory_space<hbm>>
      %dma_wait3A_39 = arith.constant 0 : i32
      %dma_wait3A_40 = tpu.memref_slice %arg7[%run_scoped3A, %dma_wait3A_39] : memref<2x80xi32, #tpu.memory_space<vmem>> -> memref<1x80xi32, #tpu.memory_space<vmem>>
      %dma_wait3A_41 = tpu.memref_squeeze %dma_wait3A_40 : memref<1x80xi32, #tpu.memory_space<vmem>> -> memref<80xi32, #tpu.memory_space<vmem>>
      %dma_wait3A_42 = tpu.memref_slice %arg3[%add3A_6] : memref<320000xi32, #tpu.memory_space<hbm>> -> memref<80xi32, #tpu.memory_space<hbm>>
      tpu.wait_dma2 semaphore(%run_scoped3A_27 : memref<!tpu.dma_semaphore, #tpu.memory_space<semaphore_mem>>) src(%dma_wait3A_42 : memref<80xi32, #tpu.memory_space<hbm>>) dst(%dma_wait3A_41 : memref<80xi32, #tpu.memory_space<vmem>>)
      tpu.yield
    }) : () -> ()
    %add3A_7 = arith.constant 0 : i32
    %add3A_8 = arith.addi %mul3A_4, %add3A_7 : i32
    %run_scoped3A_9 = arith.constant 0 : i32
    "tpu.region"() ({
      %run_scoped3A_27 = tpu.sem_alloc : memref<!tpu.dma_semaphore, #tpu.memory_space<semaphore_mem>>
      %dma_start3A_28 = arith.constant 0 : i32
      %dma_start3A_29 = tpu.memref_slice %arg8[%run_scoped3A_9, %dma_start3A_28] : memref<2x80xi32, #tpu.memory_space<vmem>> -> memref<1x80xi32, #tpu.memory_space<vmem>>
      %dma_start3A_30 = tpu.memref_squeeze %dma_start3A_29 : memref<1x80xi32, #tpu.memory_space<vmem>> -> memref<80xi32, #tpu.memory_space<vmem>>
      %dma_start3A_31 = tpu.memref_slice %arg4[%add3A_8] : memref<320000xi32, #tpu.memory_space<hbm>> -> memref<80xi32, #tpu.memory_space<hbm>>
      %dma_start3A_32 = arith.constant 0 : i32
      %dma_start3A_33 = tpu.memref_slice %arg8[%run_scoped3A_9, %dma_start3A_32] : memref<2x80xi32, #tpu.memory_space<vmem>> -> memref<1x80xi32, #tpu.memory_space<vmem>>
      %dma_start3A_34 = tpu.memref_squeeze %dma_start3A_33 : memref<1x80xi32, #tpu.memory_space<vmem>> -> memref<80xi32, #tpu.memory_space<vmem>>
      %dma_start3A_35 = tpu.memref_slice %arg4[%add3A_8] : memref<320000xi32, #tpu.memory_space<hbm>> -> memref<80xi32, #tpu.memory_space<hbm>>
      tpu.enqueue_dma source(%dma_start3A_35 : memref<80xi32, #tpu.memory_space<hbm>>) target(%dma_start3A_34 : memref<80xi32, #tpu.memory_space<vmem>>) target_semaphore(%run_scoped3A_27 : memref<!tpu.dma_semaphore, #tpu.memory_space<semaphore_mem>>)
      %dma_wait3A = arith.constant 0 : i32
      %dma_wait3A_36 = tpu.memref_slice %arg8[%run_scoped3A_9, %dma_wait3A] : memref<2x80xi32, #tpu.memory_space<vmem>> -> memref<1x80xi32, #tpu.memory_space<vmem>>
      %dma_wait3A_37 = tpu.memref_squeeze %dma_wait3A_36 : memref<1x80xi32, #tpu.memory_space<vmem>> -> memref<80xi32, #tpu.memory_space<vmem>>
      %dma_wait3A_38 = tpu.memref_slice %arg4[%add3A_8] : memref<320000xi32, #tpu.memory_space<hbm>> -> memref<80xi32, #tpu.memory_space<hbm>>
      %dma_wait3A_39 = arith.constant 0 : i32
      %dma_wait3A_40 = tpu.memref_slice %arg8[%run_scoped3A_9, %dma_wait3A_39] : memref<2x80xi32, #tpu.memory_space<vmem>> -> memref<1x80xi32, #tpu.memory_space<vmem>>
      %dma_wait3A_41 = tpu.memref_squeeze %dma_wait3A_40 : memref<1x80xi32, #tpu.memory_space<vmem>> -> memref<80xi32, #tpu.memory_space<vmem>>
      %dma_wait3A_42 = tpu.memref_slice %arg4[%add3A_8] : memref<320000xi32, #tpu.memory_space<hbm>> -> memref<80xi32, #tpu.memory_space<hbm>>
      tpu.wait_dma2 semaphore(%run_scoped3A_27 : memref<!tpu.dma_semaphore, #tpu.memory_space<semaphore_mem>>) src(%dma_wait3A_42 : memref<80xi32, #tpu.memory_space<hbm>>) dst(%dma_wait3A_41 : memref<80xi32, #tpu.memory_space<vmem>>)
      tpu.yield
    }) : () -> ()
    %dma_start3A = arith.constant 0 : i32
    %dma_start3A_10 = arith.constant 0 : i32
    %dma_start3A_11 = arith.constant 0 : i32
    %dma_start3A_12 = arith.constant 0 : i32
    %dma_start3A_13 = tpu.memref_slice %arg9[%dma_start3A_10, %dma_start3A_11, %dma_start3A_12] : memref<2x80x128xf32, #tpu.memory_space<vmem>> -> memref<1x80x128xf32, #tpu.memory_space<vmem>>
    %dma_start3A_14 = tpu.memref_squeeze %dma_start3A_13 : memref<1x80x128xf32, #tpu.memory_space<vmem>> -> memref<80x128xf32, #tpu.memory_space<vmem>>
    %dma_start3A_15 = arith.constant 0 : i32
    %dma_start3A_16 = tpu.memref_slice %arg7[%dma_start3A, %dma_start3A_15] : memref<2x80xi32, #tpu.memory_space<vmem>> -> memref<1x80xi32, #tpu.memory_space<vmem>>
    %dma_start3A_17 = tpu.memref_squeeze %dma_start3A_16 : memref<1x80xi32, #tpu.memory_space<vmem>> -> memref<80xi32, #tpu.memory_space<vmem>>
    %dma_start3A_18 = arith.constant 0 : i32
    %dma_start3A_19 = arith.constant 0 : i32
    %dma_start3A_20 = tpu.memref_slice %arg2[%dma_start3A_18, %dma_start3A_19] : memref<10000x128xf32, #tpu.memory_space<hbm>> -> memref<10000x128xf32, #tpu.memory_space<hbm>>
    tpu.enqueue_indirect_dma source(%dma_start3A_20 : memref<10000x128xf32, #tpu.memory_space<hbm>>) target(%dma_start3A_14 : memref<80x128xf32, #tpu.memory_space<vmem>>) offsets(%dma_start3A_17 : memref<80xi32, #tpu.memory_space<vmem>>) semaphore(%arg11 : memref<!tpu.dma_semaphore, #tpu.memory_space<semaphore_mem>>)
    %scan3A = arith.constant 0 : i32
    %scan3A_21 = arith.constant 0 : i32
    %scan3A_22 = arith.constant 63 : i32
    %scan3A_23 = arith.addi %scan3A_21, %scan3A_22 : i32
    %scan3A_24 = arith.constant 1 : i32
    scf.for %scan3A_27 = %scan3A_21 to %scan3A_23 step %scan3A_24  : i32 {
      %mul3A_28 = arith.constant 2 : i32
      %mul3A_29 = arith.muli %mul3A_28, %scan3A_27 : i32
      %mul3A_30 = arith.constant 2 : i32
      %mul3A_31 = arith.muli %mul3A_30, %scan3A_27 : i32
      %add3A_32 = arith.constant 1 : i32
      %add3A_33 = arith.addi %mul3A_31, %add3A_32 : i32
      %lt3A = arith.constant 125 : i32
      %lt3A_34 = arith.cmpi slt, %add3A_33, %lt3A : i32
      %convert_element_type3A = arith.extui %lt3A_34 : i1 to i32
      %cond3A = arith.constant 0 : i32
      %cond3A_35 = arith.cmpi ne, %convert_element_type3A, %cond3A : i32
      scf.if %cond3A_35 {
        %mul3A_61 = arith.constant 80 : i32
        %mul3A_62 = arith.muli %add3A_33, %mul3A_61 : i32
        %add3A_63 = arith.addi %mul3A_4, %mul3A_62 : i32
        %run_scoped3A_64 = arith.constant 1 : i32
        "tpu.region"() ({
          %run_scoped3A_81 = tpu.sem_alloc : memref<!tpu.dma_semaphore, #tpu.memory_space<semaphore_mem>>
          %dma_start3A_82 = arith.constant 0 : i32
          %dma_start3A_83 = tpu.memref_slice %arg7[%run_scoped3A_64, %dma_start3A_82] : memref<2x80xi32, #tpu.memory_space<vmem>> -> memref<1x80xi32, #tpu.memory_space<vmem>>
          %dma_start3A_84 = tpu.memref_squeeze %dma_start3A_83 : memref<1x80xi32, #tpu.memory_space<vmem>> -> memref<80xi32, #tpu.memory_space<vmem>>
          %dma_start3A_85 = tpu.memref_slice %arg3[%add3A_63] : memref<320000xi32, #tpu.memory_space<hbm>> -> memref<80xi32, #tpu.memory_space<hbm>>
          %dma_start3A_86 = arith.constant 0 : i32
          %dma_start3A_87 = tpu.memref_slice %arg7[%run_scoped3A_64, %dma_start3A_86] : memref<2x80xi32, #tpu.memory_space<vmem>> -> memref<1x80xi32, #tpu.memory_space<vmem>>
          %dma_start3A_88 = tpu.memref_squeeze %dma_start3A_87 : memref<1x80xi32, #tpu.memory_space<vmem>> -> memref<80xi32, #tpu.memory_space<vmem>>
          %dma_start3A_89 = tpu.memref_slice %arg3[%add3A_63] : memref<320000xi32, #tpu.memory_space<hbm>> -> memref<80xi32, #tpu.memory_space<hbm>>
          tpu.enqueue_dma source(%dma_start3A_89 : memref<80xi32, #tpu.memory_space<hbm>>) target(%dma_start3A_88 : memref<80xi32, #tpu.memory_space<vmem>>) target_semaphore(%run_scoped3A_81 : memref<!tpu.dma_semaphore, #tpu.memory_space<semaphore_mem>>)
          %dma_wait3A_90 = arith.constant 0 : i32
          %dma_wait3A_91 = tpu.memref_slice %arg7[%run_scoped3A_64, %dma_wait3A_90] : memref<2x80xi32, #tpu.memory_space<vmem>> -> memref<1x80xi32, #tpu.memory_space<vmem>>
          %dma_wait3A_92 = tpu.memref_squeeze %dma_wait3A_91 : memref<1x80xi32, #tpu.memory_space<vmem>> -> memref<80xi32, #tpu.memory_space<vmem>>
          %dma_wait3A_93 = tpu.memref_slice %arg3[%add3A_63] : memref<320000xi32, #tpu.memory_space<hbm>> -> memref<80xi32, #tpu.memory_space<hbm>>
          %dma_wait3A_94 = arith.constant 0 : i32
          %dma_wait3A_95 = tpu.memref_slice %arg7[%run_scoped3A_64, %dma_wait3A_94] : memref<2x80xi32, #tpu.memory_space<vmem>> -> memref<1x80xi32, #tpu.memory_space<vmem>>
          %dma_wait3A_96 = tpu.memref_squeeze %dma_wait3A_95 : memref<1x80xi32, #tpu.memory_space<vmem>> -> memref<80xi32, #tpu.memory_space<vmem>>
          %dma_wait3A_97 = tpu.memref_slice %arg3[%add3A_63] : memref<320000xi32, #tpu.memory_space<hbm>> -> memref<80xi32, #tpu.memory_space<hbm>>
          tpu.wait_dma2 semaphore(%run_scoped3A_81 : memref<!tpu.dma_semaphore, #tpu.memory_space<semaphore_mem>>) src(%dma_wait3A_97 : memref<80xi32, #tpu.memory_space<hbm>>) dst(%dma_wait3A_96 : memref<80xi32, #tpu.memory_space<vmem>>)
          tpu.yield
        }) : () -> ()
        %mul3A_65 = arith.constant 80 : i32
        %mul3A_66 = arith.muli %add3A_33, %mul3A_65 : i32
        %add3A_67 = arith.addi %mul3A_4, %mul3A_66 : i32
        %run_scoped3A_68 = arith.constant 1 : i32
        "tpu.region"() ({
          %run_scoped3A_81 = tpu.sem_alloc : memref<!tpu.dma_semaphore, #tpu.memory_space<semaphore_mem>>
          %dma_start3A_82 = arith.constant 0 : i32
          %dma_start3A_83 = tpu.memref_slice %arg8[%run_scoped3A_68, %dma_start3A_82] : memref<2x80xi32, #tpu.memory_space<vmem>> -> memref<1x80xi32, #tpu.memory_space<vmem>>
          %dma_start3A_84 = tpu.memref_squeeze %dma_start3A_83 : memref<1x80xi32, #tpu.memory_space<vmem>> -> memref<80xi32, #tpu.memory_space<vmem>>
          %dma_start3A_85 = tpu.memref_slice %arg4[%add3A_67] : memref<320000xi32, #tpu.memory_space<hbm>> -> memref<80xi32, #tpu.memory_space<hbm>>
          %dma_start3A_86 = arith.constant 0 : i32
          %dma_start3A_87 = tpu.memref_slice %arg8[%run_scoped3A_68, %dma_start3A_86] : memref<2x80xi32, #tpu.memory_space<vmem>> -> memref<1x80xi32, #tpu.memory_space<vmem>>
          %dma_start3A_88 = tpu.memref_squeeze %dma_start3A_87 : memref<1x80xi32, #tpu.memory_space<vmem>> -> memref<80xi32, #tpu.memory_space<vmem>>
          %dma_start3A_89 = tpu.memref_slice %arg4[%add3A_67] : memref<320000xi32, #tpu.memory_space<hbm>> -> memref<80xi32, #tpu.memory_space<hbm>>
          tpu.enqueue_dma source(%dma_start3A_89 : memref<80xi32, #tpu.memory_space<hbm>>) target(%dma_start3A_88 : memref<80xi32, #tpu.memory_space<vmem>>) target_semaphore(%run_scoped3A_81 : memref<!tpu.dma_semaphore, #tpu.memory_space<semaphore_mem>>)
          %dma_wait3A_90 = arith.constant 0 : i32
          %dma_wait3A_91 = tpu.memref_slice %arg8[%run_scoped3A_68, %dma_wait3A_90] : memref<2x80xi32, #tpu.memory_space<vmem>> -> memref<1x80xi32, #tpu.memory_space<vmem>>
          %dma_wait3A_92 = tpu.memref_squeeze %dma_wait3A_91 : memref<1x80xi32, #tpu.memory_space<vmem>> -> memref<80xi32, #tpu.memory_space<vmem>>
          %dma_wait3A_93 = tpu.memref_slice %arg4[%add3A_67] : memref<320000xi32, #tpu.memory_space<hbm>> -> memref<80xi32, #tpu.memory_space<hbm>>
          %dma_wait3A_94 = arith.constant 0 : i32
          %dma_wait3A_95 = tpu.memref_slice %arg8[%run_scoped3A_68, %dma_wait3A_94] : memref<2x80xi32, #tpu.memory_space<vmem>> -> memref<1x80xi32, #tpu.memory_space<vmem>>
          %dma_wait3A_96 = tpu.memref_squeeze %dma_wait3A_95 : memref<1x80xi32, #tpu.memory_space<vmem>> -> memref<80xi32, #tpu.memory_space<vmem>>
          %dma_wait3A_97 = tpu.memref_slice %arg4[%add3A_67] : memref<320000xi32, #tpu.memory_space<hbm>> -> memref<80xi32, #tpu.memory_space<hbm>>
          tpu.wait_dma2 semaphore(%run_scoped3A_81 : memref<!tpu.dma_semaphore, #tpu.memory_space<semaphore_mem>>) src(%dma_wait3A_97 : memref<80xi32, #tpu.memory_space<hbm>>) dst(%dma_wait3A_96 : memref<80xi32, #tpu.memory_space<vmem>>)
          tpu.yield
        }) : () -> ()
        %dma_start3A_69 = arith.constant 1 : i32
        %dma_start3A_70 = arith.constant 1 : i32
        %dma_start3A_71 = arith.constant 0 : i32
        %dma_start3A_72 = arith.constant 0 : i32
        %dma_start3A_73 = tpu.memref_slice %arg9[%dma_start3A_70, %dma_start3A_71, %dma_start3A_72] : memref<2x80x128xf32, #tpu.memory_space<vmem>> -> memref<1x80x128xf32, #tpu.memory_space<vmem>>
        %dma_start3A_74 = tpu.memref_squeeze %dma_start3A_73 : memref<1x80x128xf32, #tpu.memory_space<vmem>> -> memref<80x128xf32, #tpu.memory_space<vmem>>
        %dma_start3A_75 = arith.constant 0 : i32
        %dma_start3A_76 = tpu.memref_slice %arg7[%dma_start3A_69, %dma_start3A_75] : memref<2x80xi32, #tpu.memory_space<vmem>> -> memref<1x80xi32, #tpu.memory_space<vmem>>
        %dma_start3A_77 = tpu.memref_squeeze %dma_start3A_76 : memref<1x80xi32, #tpu.memory_space<vmem>> -> memref<80xi32, #tpu.memory_space<vmem>>
        %dma_start3A_78 = arith.constant 0 : i32
        %dma_start3A_79 = arith.constant 0 : i32
        %dma_start3A_80 = tpu.memref_slice %arg2[%dma_start3A_78, %dma_start3A_79] : memref<10000x128xf32, #tpu.memory_space<hbm>> -> memref<10000x128xf32, #tpu.memory_space<hbm>>
        tpu.enqueue_indirect_dma source(%dma_start3A_80 : memref<10000x128xf32, #tpu.memory_space<hbm>>) target(%dma_start3A_74 : memref<80x128xf32, #tpu.memory_space<vmem>>) offsets(%dma_start3A_77 : memref<80xi32, #tpu.memory_space<vmem>>) semaphore(%arg12 : memref<!tpu.dma_semaphore, #tpu.memory_space<semaphore_mem>>)
      } else {
      }
      %dma_wait3A = arith.constant 0 : i32
      %dma_wait3A_36 = arith.constant 0 : i32
      %dma_wait3A_37 = arith.constant 0 : i32
      %dma_wait3A_38 = arith.constant 0 : i32
      %dma_wait3A_39 = tpu.memref_slice %arg9[%dma_wait3A_36, %dma_wait3A_37, %dma_wait3A_38] : memref<2x80x128xf32, #tpu.memory_space<vmem>> -> memref<1x80x128xf32, #tpu.memory_space<vmem>>
      %dma_wait3A_40 = tpu.memref_squeeze %dma_wait3A_39 : memref<1x80x128xf32, #tpu.memory_space<vmem>> -> memref<80x128xf32, #tpu.memory_space<vmem>>
      %dma_wait3A_41 = arith.constant 0 : i32
      %dma_wait3A_42 = tpu.memref_slice %arg7[%dma_wait3A, %dma_wait3A_41] : memref<2x80xi32, #tpu.memory_space<vmem>> -> memref<1x80xi32, #tpu.memory_space<vmem>>
      %dma_wait3A_43 = tpu.memref_squeeze %dma_wait3A_42 : memref<1x80xi32, #tpu.memory_space<vmem>> -> memref<80xi32, #tpu.memory_space<vmem>>
      %dma_wait3A_44 = arith.constant 0 : i32
      %dma_wait3A_45 = arith.constant 0 : i32
      %dma_wait3A_46 = tpu.memref_slice %arg2[%dma_wait3A_44, %dma_wait3A_45] : memref<10000x128xf32, #tpu.memory_space<hbm>> -> memref<10000x128xf32, #tpu.memory_space<hbm>>
      tpu.wait_indirect_dma semaphore(%arg11 : memref<!tpu.dma_semaphore, #tpu.memory_space<semaphore_mem>>) src(%dma_wait3A_46 : memref<10000x128xf32, #tpu.memory_space<hbm>>) dst(%dma_wait3A_40 : memref<80x128xf32, #tpu.memory_space<vmem>>)
      %run_scoped3A_47 = arith.constant 0 : i32
      %run_scoped3A_48 = arith.constant 0 : i32
      "tpu.region"() ({
        %run_scoped3A_61 = tpu.sem_alloc : memref<!tpu.dma_semaphore, #tpu.memory_space<semaphore_mem>>
        %dma_start3A_62 = arith.constant 0 : i32
        %dma_start3A_63 = arith.constant 0 : i32
        %dma_start3A_64 = tpu.memref_slice %arg9[%run_scoped3A_47, %dma_start3A_62, %dma_start3A_63] : memref<2x80x128xf32, #tpu.memory_space<vmem>> -> memref<1x80x128xf32, #tpu.memory_space<vmem>>
        %dma_start3A_65 = tpu.memref_squeeze %dma_start3A_64 : memref<1x80x128xf32, #tpu.memory_space<vmem>> -> memref<80x128xf32, #tpu.memory_space<vmem>>
        %dma_start3A_66 = arith.constant 0 : i32
        %dma_start3A_67 = tpu.memref_slice %arg8[%run_scoped3A_48, %dma_start3A_66] : memref<2x80xi32, #tpu.memory_space<vmem>> -> memref<1x80xi32, #tpu.memory_space<vmem>>
        %dma_start3A_68 = tpu.memref_squeeze %dma_start3A_67 : memref<1x80xi32, #tpu.memory_space<vmem>> -> memref<80xi32, #tpu.memory_space<vmem>>
        %dma_start3A_69 = arith.constant 0 : i32
        %dma_start3A_70 = arith.constant 0 : i32
        %dma_start3A_71 = tpu.memref_slice %arg10[%dma_start3A_69, %dma_start3A_70] : memref<10240x128xf32, #tpu.memory_space<vmem_shared>> -> memref<10240x128xf32, #tpu.memory_space<vmem_shared>>
        tpu.enqueue_indirect_dma source(%dma_start3A_65 : memref<80x128xf32, #tpu.memory_space<vmem>>) target(%dma_start3A_71 : memref<10240x128xf32, #tpu.memory_space<vmem_shared>>) offsets(%dma_start3A_68 : memref<80xi32, #tpu.memory_space<vmem>>) semaphore(%run_scoped3A_61 : memref<!tpu.dma_semaphore, #tpu.memory_space<semaphore_mem>>) {add = true}
        %dma_wait3A_72 = arith.constant 0 : i32
        %dma_wait3A_73 = arith.constant 0 : i32
        %dma_wait3A_74 = tpu.memref_slice %arg9[%run_scoped3A_47, %dma_wait3A_72, %dma_wait3A_73] : memref<2x80x128xf32, #tpu.memory_space<vmem>> -> memref<1x80x128xf32, #tpu.memory_space<vmem>>
        %dma_wait3A_75 = tpu.memref_squeeze %dma_wait3A_74 : memref<1x80x128xf32, #tpu.memory_space<vmem>> -> memref<80x128xf32, #tpu.memory_space<vmem>>
        %dma_wait3A_76 = arith.constant 0 : i32
        %dma_wait3A_77 = tpu.memref_slice %arg8[%run_scoped3A_48, %dma_wait3A_76] : memref<2x80xi32, #tpu.memory_space<vmem>> -> memref<1x80xi32, #tpu.memory_space<vmem>>
        %dma_wait3A_78 = tpu.memref_squeeze %dma_wait3A_77 : memref<1x80xi32, #tpu.memory_space<vmem>> -> memref<80xi32, #tpu.memory_space<vmem>>
        %dma_wait3A_79 = arith.constant 0 : i32
        %dma_wait3A_80 = arith.constant 0 : i32
        %dma_wait3A_81 = tpu.memref_slice %arg10[%dma_wait3A_79, %dma_wait3A_80] : memref<10240x128xf32, #tpu.memory_space<vmem_shared>> -> memref<10240x128xf32, #tpu.memory_space<vmem_shared>>
        tpu.wait_indirect_dma semaphore(%run_scoped3A_61 : memref<!tpu.dma_semaphore, #tpu.memory_space<semaphore_mem>>) src(%dma_wait3A_75 : memref<80x128xf32, #tpu.memory_space<vmem>>) dst(%dma_wait3A_81 : memref<10240x128xf32, #tpu.memory_space<vmem_shared>>)
        tpu.yield
      }) : () -> ()
      %add3A_49 = arith.constant 2 : i32
      %add3A_50 = arith.addi %mul3A_29, %add3A_49 : i32
      %lt3A_51 = arith.constant 125 : i32
      %lt3A_52 = arith.cmpi slt, %add3A_50, %lt3A_51 : i32
      %convert_element_type3A_53 = arith.extui %lt3A_52 : i1 to i32
      %cond3A_54 = arith.constant 0 : i32
      %cond3A_55 = arith.cmpi ne, %convert_element_type3A_53, %cond3A_54 : i32
      scf.if %cond3A_55 {
        %add3A_61 = arith.constant 2 : i32
        %add3A_62 = arith.addi %mul3A_29, %add3A_61 : i32
        %mul3A_63 = arith.constant 80 : i32
        %mul3A_64 = arith.muli %add3A_62, %mul3A_63 : i32
        %add3A_65 = arith.addi %mul3A_4, %mul3A_64 : i32
        %run_scoped3A_66 = arith.constant 0 : i32
        "tpu.region"() ({
          %run_scoped3A_83 = tpu.sem_alloc : memref<!tpu.dma_semaphore, #tpu.memory_space<semaphore_mem>>
          %dma_start3A_84 = arith.constant 0 : i32
          %dma_start3A_85 = tpu.memref_slice %arg7[%run_scoped3A_66, %dma_start3A_84] : memref<2x80xi32, #tpu.memory_space<vmem>> -> memref<1x80xi32, #tpu.memory_space<vmem>>
          %dma_start3A_86 = tpu.memref_squeeze %dma_start3A_85 : memref<1x80xi32, #tpu.memory_space<vmem>> -> memref<80xi32, #tpu.memory_space<vmem>>
          %dma_start3A_87 = tpu.memref_slice %arg3[%add3A_65] : memref<320000xi32, #tpu.memory_space<hbm>> -> memref<80xi32, #tpu.memory_space<hbm>>
          %dma_start3A_88 = arith.constant 0 : i32
          %dma_start3A_89 = tpu.memref_slice %arg7[%run_scoped3A_66, %dma_start3A_88] : memref<2x80xi32, #tpu.memory_space<vmem>> -> memref<1x80xi32, #tpu.memory_space<vmem>>
          %dma_start3A_90 = tpu.memref_squeeze %dma_start3A_89 : memref<1x80xi32, #tpu.memory_space<vmem>> -> memref<80xi32, #tpu.memory_space<vmem>>
          %dma_start3A_91 = tpu.memref_slice %arg3[%add3A_65] : memref<320000xi32, #tpu.memory_space<hbm>> -> memref<80xi32, #tpu.memory_space<hbm>>
          tpu.enqueue_dma source(%dma_start3A_91 : memref<80xi32, #tpu.memory_space<hbm>>) target(%dma_start3A_90 : memref<80xi32, #tpu.memory_space<vmem>>) target_semaphore(%run_scoped3A_83 : memref<!tpu.dma_semaphore, #tpu.memory_space<semaphore_mem>>)
          %dma_wait3A_92 = arith.constant 0 : i32
          %dma_wait3A_93 = tpu.memref_slice %arg7[%run_scoped3A_66, %dma_wait3A_92] : memref<2x80xi32, #tpu.memory_space<vmem>> -> memref<1x80xi32, #tpu.memory_space<vmem>>
          %dma_wait3A_94 = tpu.memref_squeeze %dma_wait3A_93 : memref<1x80xi32, #tpu.memory_space<vmem>> -> memref<80xi32, #tpu.memory_space<vmem>>
          %dma_wait3A_95 = tpu.memref_slice %arg3[%add3A_65] : memref<320000xi32, #tpu.memory_space<hbm>> -> memref<80xi32, #tpu.memory_space<hbm>>
          %dma_wait3A_96 = arith.constant 0 : i32
          %dma_wait3A_97 = tpu.memref_slice %arg7[%run_scoped3A_66, %dma_wait3A_96] : memref<2x80xi32, #tpu.memory_space<vmem>> -> memref<1x80xi32, #tpu.memory_space<vmem>>
          %dma_wait3A_98 = tpu.memref_squeeze %dma_wait3A_97 : memref<1x80xi32, #tpu.memory_space<vmem>> -> memref<80xi32, #tpu.memory_space<vmem>>
          %dma_wait3A_99 = tpu.memref_slice %arg3[%add3A_65] : memref<320000xi32, #tpu.memory_space<hbm>> -> memref<80xi32, #tpu.memory_space<hbm>>
          tpu.wait_dma2 semaphore(%run_scoped3A_83 : memref<!tpu.dma_semaphore, #tpu.memory_space<semaphore_mem>>) src(%dma_wait3A_99 : memref<80xi32, #tpu.memory_space<hbm>>) dst(%dma_wait3A_98 : memref<80xi32, #tpu.memory_space<vmem>>)
          tpu.yield
        }) : () -> ()
        %mul3A_67 = arith.constant 80 : i32
        %mul3A_68 = arith.muli %add3A_62, %mul3A_67 : i32
        %add3A_69 = arith.addi %mul3A_4, %mul3A_68 : i32
        %run_scoped3A_70 = arith.constant 0 : i32
        "tpu.region"() ({
          %run_scoped3A_83 = tpu.sem_alloc : memref<!tpu.dma_semaphore, #tpu.memory_space<semaphore_mem>>
          %dma_start3A_84 = arith.constant 0 : i32
          %dma_start3A_85 = tpu.memref_slice %arg8[%run_scoped3A_70, %dma_start3A_84] : memref<2x80xi32, #tpu.memory_space<vmem>> -> memref<1x80xi32, #tpu.memory_space<vmem>>
          %dma_start3A_86 = tpu.memref_squeeze %dma_start3A_85 : memref<1x80xi32, #tpu.memory_space<vmem>> -> memref<80xi32, #tpu.memory_space<vmem>>
          %dma_start3A_87 = tpu.memref_slice %arg4[%add3A_69] : memref<320000xi32, #tpu.memory_space<hbm>> -> memref<80xi32, #tpu.memory_space<hbm>>
          %dma_start3A_88 = arith.constant 0 : i32
          %dma_start3A_89 = tpu.memref_slice %arg8[%run_scoped3A_70, %dma_start3A_88] : memref<2x80xi32, #tpu.memory_space<vmem>> -> memref<1x80xi32, #tpu.memory_space<vmem>>
          %dma_start3A_90 = tpu.memref_squeeze %dma_start3A_89 : memref<1x80xi32, #tpu.memory_space<vmem>> -> memref<80xi32, #tpu.memory_space<vmem>>
          %dma_start3A_91 = tpu.memref_slice %arg4[%add3A_69] : memref<320000xi32, #tpu.memory_space<hbm>> -> memref<80xi32, #tpu.memory_space<hbm>>
          tpu.enqueue_dma source(%dma_start3A_91 : memref<80xi32, #tpu.memory_space<hbm>>) target(%dma_start3A_90 : memref<80xi32, #tpu.memory_space<vmem>>) target_semaphore(%run_scoped3A_83 : memref<!tpu.dma_semaphore, #tpu.memory_space<semaphore_mem>>)
          %dma_wait3A_92 = arith.constant 0 : i32
          %dma_wait3A_93 = tpu.memref_slice %arg8[%run_scoped3A_70, %dma_wait3A_92] : memref<2x80xi32, #tpu.memory_space<vmem>> -> memref<1x80xi32, #tpu.memory_space<vmem>>
          %dma_wait3A_94 = tpu.memref_squeeze %dma_wait3A_93 : memref<1x80xi32, #tpu.memory_space<vmem>> -> memref<80xi32, #tpu.memory_space<vmem>>
          %dma_wait3A_95 = tpu.memref_slice %arg4[%add3A_69] : memref<320000xi32, #tpu.memory_space<hbm>> -> memref<80xi32, #tpu.memory_space<hbm>>
          %dma_wait3A_96 = arith.constant 0 : i32
          %dma_wait3A_97 = tpu.memref_slice %arg8[%run_scoped3A_70, %dma_wait3A_96] : memref<2x80xi32, #tpu.memory_space<vmem>> -> memref<1x80xi32, #tpu.memory_space<vmem>>
          %dma_wait3A_98 = tpu.memref_squeeze %dma_wait3A_97 : memref<1x80xi32, #tpu.memory_space<vmem>> -> memref<80xi32, #tpu.memory_space<vmem>>
          %dma_wait3A_99 = tpu.memref_slice %arg4[%add3A_69] : memref<320000xi32, #tpu.memory_space<hbm>> -> memref<80xi32, #tpu.memory_space<hbm>>
          tpu.wait_dma2 semaphore(%run_scoped3A_83 : memref<!tpu.dma_semaphore, #tpu.memory_space<semaphore_mem>>) src(%dma_wait3A_99 : memref<80xi32, #tpu.memory_space<hbm>>) dst(%dma_wait3A_98 : memref<80xi32, #tpu.memory_space<vmem>>)
          tpu.yield
        }) : () -> ()
        %dma_start3A_71 = arith.constant 0 : i32
        %dma_start3A_72 = arith.constant 0 : i32
        %dma_start3A_73 = arith.constant 0 : i32
        %dma_start3A_74 = arith.constant 0 : i32
        %dma_start3A_75 = tpu.memref_slice %arg9[%dma_start3A_72, %dma_start3A_73, %dma_start3A_74] : memref<2x80x128xf32, #tpu.memory_space<vmem>> -> memref<1x80x128xf32, #tpu.memory_space<vmem>>
        %dma_start3A_76 = tpu.memref_squeeze %dma_start3A_75 : memref<1x80x128xf32, #tpu.memory_space<vmem>> -> memref<80x128xf32, #tpu.memory_space<vmem>>
        %dma_start3A_77 = arith.constant 0 : i32
        %dma_start3A_78 = tpu.memref_slice %arg7[%dma_start3A_71, %dma_start3A_77] : memref<2x80xi32, #tpu.memory_space<vmem>> -> memref<1x80xi32, #tpu.memory_space<vmem>>
        %dma_start3A_79 = tpu.memref_squeeze %dma_start3A_78 : memref<1x80xi32, #tpu.memory_space<vmem>> -> memref<80xi32, #tpu.memory_space<vmem>>
        %dma_start3A_80 = arith.constant 0 : i32
        %dma_start3A_81 = arith.constant 0 : i32
        %dma_start3A_82 = tpu.memref_slice %arg2[%dma_start3A_80, %dma_start3A_81] : memref<10000x128xf32, #tpu.memory_space<hbm>> -> memref<10000x128xf32, #tpu.memory_space<hbm>>
        tpu.enqueue_indirect_dma source(%dma_start3A_82 : memref<10000x128xf32, #tpu.memory_space<hbm>>) target(%dma_start3A_76 : memref<80x128xf32, #tpu.memory_space<vmem>>) offsets(%dma_start3A_79 : memref<80xi32, #tpu.memory_space<vmem>>) semaphore(%arg11 : memref<!tpu.dma_semaphore, #tpu.memory_space<semaphore_mem>>)
      } else {
      }
      %lt3A_56 = arith.constant 125 : i32
      %lt3A_57 = arith.cmpi slt, %add3A_33, %lt3A_56 : i32
      %convert_element_type3A_58 = arith.extui %lt3A_57 : i1 to i32
      %cond3A_59 = arith.constant 0 : i32
      %cond3A_60 = arith.cmpi ne, %convert_element_type3A_58, %cond3A_59 : i32
      scf.if %cond3A_60 {
        %dma_wait3A_61 = arith.constant 1 : i32
        %dma_wait3A_62 = arith.constant 1 : i32
        %dma_wait3A_63 = arith.constant 0 : i32
        %dma_wait3A_64 = arith.constant 0 : i32
        %dma_wait3A_65 = tpu.memref_slice %arg9[%dma_wait3A_62, %dma_wait3A_63, %dma_wait3A_64] : memref<2x80x128xf32, #tpu.memory_space<vmem>> -> memref<1x80x128xf32, #tpu.memory_space<vmem>>
        %dma_wait3A_66 = tpu.memref_squeeze %dma_wait3A_65 : memref<1x80x128xf32, #tpu.memory_space<vmem>> -> memref<80x128xf32, #tpu.memory_space<vmem>>
        %dma_wait3A_67 = arith.constant 0 : i32
        %dma_wait3A_68 = tpu.memref_slice %arg7[%dma_wait3A_61, %dma_wait3A_67] : memref<2x80xi32, #tpu.memory_space<vmem>> -> memref<1x80xi32, #tpu.memory_space<vmem>>
        %dma_wait3A_69 = tpu.memref_squeeze %dma_wait3A_68 : memref<1x80xi32, #tpu.memory_space<vmem>> -> memref<80xi32, #tpu.memory_space<vmem>>
        %dma_wait3A_70 = arith.constant 0 : i32
        %dma_wait3A_71 = arith.constant 0 : i32
        %dma_wait3A_72 = tpu.memref_slice %arg2[%dma_wait3A_70, %dma_wait3A_71] : memref<10000x128xf32, #tpu.memory_space<hbm>> -> memref<10000x128xf32, #tpu.memory_space<hbm>>
        tpu.wait_indirect_dma semaphore(%arg12 : memref<!tpu.dma_semaphore, #tpu.memory_space<semaphore_mem>>) src(%dma_wait3A_72 : memref<10000x128xf32, #tpu.memory_space<hbm>>) dst(%dma_wait3A_66 : memref<80x128xf32, #tpu.memory_space<vmem>>)
        %run_scoped3A_73 = arith.constant 1 : i32
        %run_scoped3A_74 = arith.constant 1 : i32
        "tpu.region"() ({
          %run_scoped3A_75 = tpu.sem_alloc : memref<!tpu.dma_semaphore, #tpu.memory_space<semaphore_mem>>
          %dma_start3A_76 = arith.constant 0 : i32
          %dma_start3A_77 = arith.constant 0 : i32
          %dma_start3A_78 = tpu.memref_slice %arg9[%run_scoped3A_73, %dma_start3A_76, %dma_start3A_77] : memref<2x80x128xf32, #tpu.memory_space<vmem>> -> memref<1x80x128xf32, #tpu.memory_space<vmem>>
          %dma_start3A_79 = tpu.memref_squeeze %dma_start3A_78 : memref<1x80x128xf32, #tpu.memory_space<vmem>> -> memref<80x128xf32, #tpu.memory_space<vmem>>
          %dma_start3A_80 = arith.constant 0 : i32
          %dma_start3A_81 = tpu.memref_slice %arg8[%run_scoped3A_74, %dma_start3A_80] : memref<2x80xi32, #tpu.memory_space<vmem>> -> memref<1x80xi32, #tpu.memory_space<vmem>>
          %dma_start3A_82 = tpu.memref_squeeze %dma_start3A_81 : memref<1x80xi32, #tpu.memory_space<vmem>> -> memref<80xi32, #tpu.memory_space<vmem>>
          %dma_start3A_83 = arith.constant 0 : i32
          %dma_start3A_84 = arith.constant 0 : i32
          %dma_start3A_85 = tpu.memref_slice %arg10[%dma_start3A_83, %dma_start3A_84] : memref<10240x128xf32, #tpu.memory_space<vmem_shared>> -> memref<10240x128xf32, #tpu.memory_space<vmem_shared>>
          tpu.enqueue_indirect_dma source(%dma_start3A_79 : memref<80x128xf32, #tpu.memory_space<vmem>>) target(%dma_start3A_85 : memref<10240x128xf32, #tpu.memory_space<vmem_shared>>) offsets(%dma_start3A_82 : memref<80xi32, #tpu.memory_space<vmem>>) semaphore(%run_scoped3A_75 : memref<!tpu.dma_semaphore, #tpu.memory_space<semaphore_mem>>) {add = true}
          %dma_wait3A_86 = arith.constant 0 : i32
          %dma_wait3A_87 = arith.constant 0 : i32
          %dma_wait3A_88 = tpu.memref_slice %arg9[%run_scoped3A_73, %dma_wait3A_86, %dma_wait3A_87] : memref<2x80x128xf32, #tpu.memory_space<vmem>> -> memref<1x80x128xf32, #tpu.memory_space<vmem>>
          %dma_wait3A_89 = tpu.memref_squeeze %dma_wait3A_88 : memref<1x80x128xf32, #tpu.memory_space<vmem>> -> memref<80x128xf32, #tpu.memory_space<vmem>>
          %dma_wait3A_90 = arith.constant 0 : i32
          %dma_wait3A_91 = tpu.memref_slice %arg8[%run_scoped3A_74, %dma_wait3A_90] : memref<2x80xi32, #tpu.memory_space<vmem>> -> memref<1x80xi32, #tpu.memory_space<vmem>>
          %dma_wait3A_92 = tpu.memref_squeeze %dma_wait3A_91 : memref<1x80xi32, #tpu.memory_space<vmem>> -> memref<80xi32, #tpu.memory_space<vmem>>
          %dma_wait3A_93 = arith.constant 0 : i32
          %dma_wait3A_94 = arith.constant 0 : i32
          %dma_wait3A_95 = tpu.memref_slice %arg10[%dma_wait3A_93, %dma_wait3A_94] : memref<10240x128xf32, #tpu.memory_space<vmem_shared>> -> memref<10240x128xf32, #tpu.memory_space<vmem_shared>>
          tpu.wait_indirect_dma semaphore(%run_scoped3A_75 : memref<!tpu.dma_semaphore, #tpu.memory_space<semaphore_mem>>) src(%dma_wait3A_89 : memref<80x128xf32, #tpu.memory_space<vmem>>) dst(%dma_wait3A_95 : memref<10240x128xf32, #tpu.memory_space<vmem_shared>>)
          tpu.yield
        }) : () -> ()
      } else {
      }
    }
    %scan3A_25 = arith.constant 63 : i32
    %barrier3A_26 = arith.constant 0 : index
    tpu.barrier barrier_id(%barrier3A_26)
    "tpu.region"() ({
      %run_scoped3A_27 = tpu.sem_alloc : memref<!tpu.dma_semaphore, #tpu.memory_space<semaphore_mem>>
      %dma_start3A_28 = arith.constant 0 : i32
      %dma_start3A_29 = tpu.memref_slice %arg6[%arg0, %mul3A_0, %dma_start3A_28] : memref<2x10240x128xf32, #tpu.memory_space<hbm>> -> memref<1x640x128xf32, #tpu.memory_space<hbm>>
      %dma_start3A_30 = tpu.memref_squeeze %dma_start3A_29 : memref<1x640x128xf32, #tpu.memory_space<hbm>> -> memref<640x128xf32, #tpu.memory_space<hbm>>
      %dma_start3A_31 = arith.constant 0 : i32
      %dma_start3A_32 = tpu.memref_slice %arg10[%mul3A_0, %dma_start3A_31] : memref<10240x128xf32, #tpu.memory_space<vmem_shared>> -> memref<640x128xf32, #tpu.memory_space<vmem_shared>>
      tpu.enqueue_dma source(%dma_start3A_32 : memref<640x128xf32, #tpu.memory_space<vmem_shared>>) target(%dma_start3A_30 : memref<640x128xf32, #tpu.memory_space<hbm>>) target_semaphore(%run_scoped3A_27 : memref<!tpu.dma_semaphore, #tpu.memory_space<semaphore_mem>>)
      %dma_wait3A = arith.constant 0 : i32
      %dma_wait3A_33 = tpu.memref_slice %arg6[%arg0, %mul3A_0, %dma_wait3A] : memref<2x10240x128xf32, #tpu.memory_space<hbm>> -> memref<1x640x128xf32, #tpu.memory_space<hbm>>
      %dma_wait3A_34 = tpu.memref_squeeze %dma_wait3A_33 : memref<1x640x128xf32, #tpu.memory_space<hbm>> -> memref<640x128xf32, #tpu.memory_space<hbm>>
      %dma_wait3A_35 = arith.constant 0 : i32
      %dma_wait3A_36 = tpu.memref_slice %arg10[%mul3A_0, %dma_wait3A_35] : memref<10240x128xf32, #tpu.memory_space<vmem_shared>> -> memref<640x128xf32, #tpu.memory_space<vmem_shared>>
      tpu.wait_dma2 semaphore(%run_scoped3A_27 : memref<!tpu.dma_semaphore, #tpu.memory_space<semaphore_mem>>) src(%dma_wait3A_36 : memref<640x128xf32, #tpu.memory_space<vmem_shared>>) dst(%dma_wait3A_34 : memref<640x128xf32, #tpu.memory_space<hbm>>)
      tpu.yield
    }) : () -> ()
    return
  }
}

#map = affine_map<(d0, d1) -> (0, 0)>
#map1 = affine_map<(d0, d1) -> (0)>
#map2 = affine_map<(d0, d1) -> (0, 0, 0)>
module attributes {stable_mosaic.version = 14 : i64} {
  func.func @body_plain(%arg0: i32, %arg1: i32, %arg2: memref<10000x128xf32, #tpu.memory_space<hbm>>, %arg3: memref<320000xi32, #tpu.memory_space<hbm>>, %arg4: memref<320000xi32, #tpu.memory_space<hbm>>, %arg5: memref<10240x128xf32, #tpu.memory_space<hbm>>, %arg6: memref<2x10240x128xf32, #tpu.memory_space<hbm>>, %arg7: memref<2x80xi32, #tpu.memory_space<vmem>>, %arg8: memref<2x80xi32, #tpu.memory_space<vmem>>, %arg9: memref<2x80x128xf32, #tpu.memory_space<vmem>>, %arg10: memref<10240x128xf32, #tpu.memory_space<vmem_shared>>, %arg11: memref<!tpu.dma_semaphore, #tpu.memory_space<semaphore_mem>>, %arg12: memref<!tpu.dma_semaphore, #tpu.memory_space<semaphore_mem>>) attributes {dimension_semantics = [#tpu.dimension_semantics<core_parallel>, #tpu.dimension_semantics<subcore_parallel>], iteration_bounds = array<i64: 2, 16>, scalar_prefetch = 0 : i64, scratch_operands = 6 : i64, tpu.core_type = #tpu.core_type<sc_vector_subcore>, window_params = [{transform_indices = #map}, {transform_indices = #map1}, {transform_indices = #map1}, {transform_indices = #map}, {transform_indices = #map2}]} {
    %mul3A = arith.constant 640 : i32
    %mul3A_0 = arith.muli %arg1, %mul3A : i32
    "tpu.region"() ({
      %run_scoped3A_27 = tpu.sem_alloc : memref<!tpu.dma_semaphore, #tpu.memory_space<semaphore_mem>>
      %dma_start3A_28 = arith.constant 0 : i32
      %dma_start3A_29 = tpu.memref_slice %arg10[%mul3A_0, %dma_start3A_28] : memref<10240x128xf32, #tpu.memory_space<vmem_shared>> -> memref<640x128xf32, #tpu.memory_space<vmem_shared>>
      %dma_start3A_30 = arith.constant 0 : i32
      %dma_start3A_31 = tpu.memref_slice %arg5[%mul3A_0, %dma_start3A_30] : memref<10240x128xf32, #tpu.memory_space<hbm>> -> memref<640x128xf32, #tpu.memory_space<hbm>>
      tpu.enqueue_dma source(%dma_start3A_31 : memref<640x128xf32, #tpu.memory_space<hbm>>) target(%dma_start3A_29 : memref<640x128xf32, #tpu.memory_space<vmem_shared>>) target_semaphore(%run_scoped3A_27 : memref<!tpu.dma_semaphore, #tpu.memory_space<semaphore_mem>>)
      %dma_wait3A = arith.constant 0 : i32
      %dma_wait3A_32 = tpu.memref_slice %arg10[%mul3A_0, %dma_wait3A] : memref<10240x128xf32, #tpu.memory_space<vmem_shared>> -> memref<640x128xf32, #tpu.memory_space<vmem_shared>>
      %dma_wait3A_33 = arith.constant 0 : i32
      %dma_wait3A_34 = tpu.memref_slice %arg5[%mul3A_0, %dma_wait3A_33] : memref<10240x128xf32, #tpu.memory_space<hbm>> -> memref<640x128xf32, #tpu.memory_space<hbm>>
      tpu.wait_dma2 semaphore(%run_scoped3A_27 : memref<!tpu.dma_semaphore, #tpu.memory_space<semaphore_mem>>) src(%dma_wait3A_34 : memref<640x128xf32, #tpu.memory_space<hbm>>) dst(%dma_wait3A_32 : memref<640x128xf32, #tpu.memory_space<vmem_shared>>)
      tpu.yield
    }) : () -> ()
    %barrier3A = arith.constant 0 : index
    tpu.barrier barrier_id(%barrier3A)
    %mul3A_1 = arith.constant 16 : i32
    %mul3A_2 = arith.muli %arg0, %mul3A_1 : i32
    %add3A = arith.addi %mul3A_2, %arg1 : i32
    %mul3A_3 = arith.constant 10000 : i32
    %mul3A_4 = arith.muli %add3A, %mul3A_3 : i32
    %add3A_5 = arith.constant 0 : i32
    %add3A_6 = arith.addi %mul3A_4, %add3A_5 : i32
    %run_scoped3A = arith.constant 0 : i32
    "tpu.region"() ({
      %run_scoped3A_27 = tpu.sem_alloc : memref<!tpu.dma_semaphore, #tpu.memory_space<semaphore_mem>>
      %dma_start3A_28 = arith.constant 0 : i32
      %dma_start3A_29 = tpu.memref_slice %arg7[%run_scoped3A, %dma_start3A_28] : memref<2x80xi32, #tpu.memory_space<vmem>> -> memref<1x80xi32, #tpu.memory_space<vmem>>
      %dma_start3A_30 = tpu.memref_squeeze %dma_start3A_29 : memref<1x80xi32, #tpu.memory_space<vmem>> -> memref<80xi32, #tpu.memory_space<vmem>>
      %dma_start3A_31 = tpu.memref_slice %arg3[%add3A_6] : memref<320000xi32, #tpu.memory_space<hbm>> -> memref<80xi32, #tpu.memory_space<hbm>>
      %dma_start3A_32 = arith.constant 0 : i32
      %dma_start3A_33 = tpu.memref_slice %arg7[%run_scoped3A, %dma_start3A_32] : memref<2x80xi32, #tpu.memory_space<vmem>> -> memref<1x80xi32, #tpu.memory_space<vmem>>
      %dma_start3A_34 = tpu.memref_squeeze %dma_start3A_33 : memref<1x80xi32, #tpu.memory_space<vmem>> -> memref<80xi32, #tpu.memory_space<vmem>>
      %dma_start3A_35 = tpu.memref_slice %arg3[%add3A_6] : memref<320000xi32, #tpu.memory_space<hbm>> -> memref<80xi32, #tpu.memory_space<hbm>>
      tpu.enqueue_dma source(%dma_start3A_35 : memref<80xi32, #tpu.memory_space<hbm>>) target(%dma_start3A_34 : memref<80xi32, #tpu.memory_space<vmem>>) target_semaphore(%run_scoped3A_27 : memref<!tpu.dma_semaphore, #tpu.memory_space<semaphore_mem>>)
      %dma_wait3A = arith.constant 0 : i32
      %dma_wait3A_36 = tpu.memref_slice %arg7[%run_scoped3A, %dma_wait3A] : memref<2x80xi32, #tpu.memory_space<vmem>> -> memref<1x80xi32, #tpu.memory_space<vmem>>
      %dma_wait3A_37 = tpu.memref_squeeze %dma_wait3A_36 : memref<1x80xi32, #tpu.memory_space<vmem>> -> memref<80xi32, #tpu.memory_space<vmem>>
      %dma_wait3A_38 = tpu.memref_slice %arg3[%add3A_6] : memref<320000xi32, #tpu.memory_space<hbm>> -> memref<80xi32, #tpu.memory_space<hbm>>
      %dma_wait3A_39 = arith.constant 0 : i32
      %dma_wait3A_40 = tpu.memref_slice %arg7[%run_scoped3A, %dma_wait3A_39] : memref<2x80xi32, #tpu.memory_space<vmem>> -> memref<1x80xi32, #tpu.memory_space<vmem>>
      %dma_wait3A_41 = tpu.memref_squeeze %dma_wait3A_40 : memref<1x80xi32, #tpu.memory_space<vmem>> -> memref<80xi32, #tpu.memory_space<vmem>>
      %dma_wait3A_42 = tpu.memref_slice %arg3[%add3A_6] : memref<320000xi32, #tpu.memory_space<hbm>> -> memref<80xi32, #tpu.memory_space<hbm>>
      tpu.wait_dma2 semaphore(%run_scoped3A_27 : memref<!tpu.dma_semaphore, #tpu.memory_space<semaphore_mem>>) src(%dma_wait3A_42 : memref<80xi32, #tpu.memory_space<hbm>>) dst(%dma_wait3A_41 : memref<80xi32, #tpu.memory_space<vmem>>)
      tpu.yield
    }) : () -> ()
    %add3A_7 = arith.constant 0 : i32
    %add3A_8 = arith.addi %mul3A_4, %add3A_7 : i32
    %run_scoped3A_9 = arith.constant 0 : i32
    "tpu.region"() ({
      %run_scoped3A_27 = tpu.sem_alloc : memref<!tpu.dma_semaphore, #tpu.memory_space<semaphore_mem>>
      %dma_start3A_28 = arith.constant 0 : i32
      %dma_start3A_29 = tpu.memref_slice %arg8[%run_scoped3A_9, %dma_start3A_28] : memref<2x80xi32, #tpu.memory_space<vmem>> -> memref<1x80xi32, #tpu.memory_space<vmem>>
      %dma_start3A_30 = tpu.memref_squeeze %dma_start3A_29 : memref<1x80xi32, #tpu.memory_space<vmem>> -> memref<80xi32, #tpu.memory_space<vmem>>
      %dma_start3A_31 = tpu.memref_slice %arg4[%add3A_8] : memref<320000xi32, #tpu.memory_space<hbm>> -> memref<80xi32, #tpu.memory_space<hbm>>
      %dma_start3A_32 = arith.constant 0 : i32
      %dma_start3A_33 = tpu.memref_slice %arg8[%run_scoped3A_9, %dma_start3A_32] : memref<2x80xi32, #tpu.memory_space<vmem>> -> memref<1x80xi32, #tpu.memory_space<vmem>>
      %dma_start3A_34 = tpu.memref_squeeze %dma_start3A_33 : memref<1x80xi32, #tpu.memory_space<vmem>> -> memref<80xi32, #tpu.memory_space<vmem>>
      %dma_start3A_35 = tpu.memref_slice %arg4[%add3A_8] : memref<320000xi32, #tpu.memory_space<hbm>> -> memref<80xi32, #tpu.memory_space<hbm>>
      tpu.enqueue_dma source(%dma_start3A_35 : memref<80xi32, #tpu.memory_space<hbm>>) target(%dma_start3A_34 : memref<80xi32, #tpu.memory_space<vmem>>) target_semaphore(%run_scoped3A_27 : memref<!tpu.dma_semaphore, #tpu.memory_space<semaphore_mem>>)
      %dma_wait3A = arith.constant 0 : i32
      %dma_wait3A_36 = tpu.memref_slice %arg8[%run_scoped3A_9, %dma_wait3A] : memref<2x80xi32, #tpu.memory_space<vmem>> -> memref<1x80xi32, #tpu.memory_space<vmem>>
      %dma_wait3A_37 = tpu.memref_squeeze %dma_wait3A_36 : memref<1x80xi32, #tpu.memory_space<vmem>> -> memref<80xi32, #tpu.memory_space<vmem>>
      %dma_wait3A_38 = tpu.memref_slice %arg4[%add3A_8] : memref<320000xi32, #tpu.memory_space<hbm>> -> memref<80xi32, #tpu.memory_space<hbm>>
      %dma_wait3A_39 = arith.constant 0 : i32
      %dma_wait3A_40 = tpu.memref_slice %arg8[%run_scoped3A_9, %dma_wait3A_39] : memref<2x80xi32, #tpu.memory_space<vmem>> -> memref<1x80xi32, #tpu.memory_space<vmem>>
      %dma_wait3A_41 = tpu.memref_squeeze %dma_wait3A_40 : memref<1x80xi32, #tpu.memory_space<vmem>> -> memref<80xi32, #tpu.memory_space<vmem>>
      %dma_wait3A_42 = tpu.memref_slice %arg4[%add3A_8] : memref<320000xi32, #tpu.memory_space<hbm>> -> memref<80xi32, #tpu.memory_space<hbm>>
      tpu.wait_dma2 semaphore(%run_scoped3A_27 : memref<!tpu.dma_semaphore, #tpu.memory_space<semaphore_mem>>) src(%dma_wait3A_42 : memref<80xi32, #tpu.memory_space<hbm>>) dst(%dma_wait3A_41 : memref<80xi32, #tpu.memory_space<vmem>>)
      tpu.yield
    }) : () -> ()
    %dma_start3A = arith.constant 0 : i32
    %dma_start3A_10 = arith.constant 0 : i32
    %dma_start3A_11 = arith.constant 0 : i32
    %dma_start3A_12 = arith.constant 0 : i32
    %dma_start3A_13 = tpu.memref_slice %arg9[%dma_start3A_10, %dma_start3A_11, %dma_start3A_12] : memref<2x80x128xf32, #tpu.memory_space<vmem>> -> memref<1x80x128xf32, #tpu.memory_space<vmem>>
    %dma_start3A_14 = tpu.memref_squeeze %dma_start3A_13 : memref<1x80x128xf32, #tpu.memory_space<vmem>> -> memref<80x128xf32, #tpu.memory_space<vmem>>
    %dma_start3A_15 = arith.constant 0 : i32
    %dma_start3A_16 = tpu.memref_slice %arg7[%dma_start3A, %dma_start3A_15] : memref<2x80xi32, #tpu.memory_space<vmem>> -> memref<1x80xi32, #tpu.memory_space<vmem>>
    %dma_start3A_17 = tpu.memref_squeeze %dma_start3A_16 : memref<1x80xi32, #tpu.memory_space<vmem>> -> memref<80xi32, #tpu.memory_space<vmem>>
    %dma_start3A_18 = arith.constant 0 : i32
    %dma_start3A_19 = arith.constant 0 : i32
    %dma_start3A_20 = tpu.memref_slice %arg2[%dma_start3A_18, %dma_start3A_19] : memref<10000x128xf32, #tpu.memory_space<hbm>> -> memref<10000x128xf32, #tpu.memory_space<hbm>>
    tpu.enqueue_indirect_dma source(%dma_start3A_20 : memref<10000x128xf32, #tpu.memory_space<hbm>>) target(%dma_start3A_14 : memref<80x128xf32, #tpu.memory_space<vmem>>) offsets(%dma_start3A_17 : memref<80xi32, #tpu.memory_space<vmem>>) semaphore(%arg11 : memref<!tpu.dma_semaphore, #tpu.memory_space<semaphore_mem>>)
    %scan3A = arith.constant 0 : i32
    %scan3A_21 = arith.constant 0 : i32
    %scan3A_22 = arith.constant 63 : i32
    %scan3A_23 = arith.addi %scan3A_21, %scan3A_22 : i32
    %scan3A_24 = arith.constant 1 : i32
    scf.for %scan3A_27 = %scan3A_21 to %scan3A_23 step %scan3A_24  : i32 {
      %mul3A_28 = arith.constant 2 : i32
      %mul3A_29 = arith.muli %mul3A_28, %scan3A_27 : i32
      %mul3A_30 = arith.constant 2 : i32
      %mul3A_31 = arith.muli %mul3A_30, %scan3A_27 : i32
      %add3A_32 = arith.constant 1 : i32
      %add3A_33 = arith.addi %mul3A_31, %add3A_32 : i32
      %lt3A = arith.constant 125 : i32
      %lt3A_34 = arith.cmpi slt, %add3A_33, %lt3A : i32
      %convert_element_type3A = arith.extui %lt3A_34 : i1 to i32
      %cond3A = arith.constant 0 : i32
      %cond3A_35 = arith.cmpi ne, %convert_element_type3A, %cond3A : i32
      scf.if %cond3A_35 {
        %mul3A_61 = arith.constant 80 : i32
        %mul3A_62 = arith.muli %add3A_33, %mul3A_61 : i32
        %add3A_63 = arith.addi %mul3A_4, %mul3A_62 : i32
        %run_scoped3A_64 = arith.constant 1 : i32
        "tpu.region"() ({
          %run_scoped3A_81 = tpu.sem_alloc : memref<!tpu.dma_semaphore, #tpu.memory_space<semaphore_mem>>
          %dma_start3A_82 = arith.constant 0 : i32
          %dma_start3A_83 = tpu.memref_slice %arg7[%run_scoped3A_64, %dma_start3A_82] : memref<2x80xi32, #tpu.memory_space<vmem>> -> memref<1x80xi32, #tpu.memory_space<vmem>>
          %dma_start3A_84 = tpu.memref_squeeze %dma_start3A_83 : memref<1x80xi32, #tpu.memory_space<vmem>> -> memref<80xi32, #tpu.memory_space<vmem>>
          %dma_start3A_85 = tpu.memref_slice %arg3[%add3A_63] : memref<320000xi32, #tpu.memory_space<hbm>> -> memref<80xi32, #tpu.memory_space<hbm>>
          %dma_start3A_86 = arith.constant 0 : i32
          %dma_start3A_87 = tpu.memref_slice %arg7[%run_scoped3A_64, %dma_start3A_86] : memref<2x80xi32, #tpu.memory_space<vmem>> -> memref<1x80xi32, #tpu.memory_space<vmem>>
          %dma_start3A_88 = tpu.memref_squeeze %dma_start3A_87 : memref<1x80xi32, #tpu.memory_space<vmem>> -> memref<80xi32, #tpu.memory_space<vmem>>
          %dma_start3A_89 = tpu.memref_slice %arg3[%add3A_63] : memref<320000xi32, #tpu.memory_space<hbm>> -> memref<80xi32, #tpu.memory_space<hbm>>
          tpu.enqueue_dma source(%dma_start3A_89 : memref<80xi32, #tpu.memory_space<hbm>>) target(%dma_start3A_88 : memref<80xi32, #tpu.memory_space<vmem>>) target_semaphore(%run_scoped3A_81 : memref<!tpu.dma_semaphore, #tpu.memory_space<semaphore_mem>>)
          %dma_wait3A_90 = arith.constant 0 : i32
          %dma_wait3A_91 = tpu.memref_slice %arg7[%run_scoped3A_64, %dma_wait3A_90] : memref<2x80xi32, #tpu.memory_space<vmem>> -> memref<1x80xi32, #tpu.memory_space<vmem>>
          %dma_wait3A_92 = tpu.memref_squeeze %dma_wait3A_91 : memref<1x80xi32, #tpu.memory_space<vmem>> -> memref<80xi32, #tpu.memory_space<vmem>>
          %dma_wait3A_93 = tpu.memref_slice %arg3[%add3A_63] : memref<320000xi32, #tpu.memory_space<hbm>> -> memref<80xi32, #tpu.memory_space<hbm>>
          %dma_wait3A_94 = arith.constant 0 : i32
          %dma_wait3A_95 = tpu.memref_slice %arg7[%run_scoped3A_64, %dma_wait3A_94] : memref<2x80xi32, #tpu.memory_space<vmem>> -> memref<1x80xi32, #tpu.memory_space<vmem>>
          %dma_wait3A_96 = tpu.memref_squeeze %dma_wait3A_95 : memref<1x80xi32, #tpu.memory_space<vmem>> -> memref<80xi32, #tpu.memory_space<vmem>>
          %dma_wait3A_97 = tpu.memref_slice %arg3[%add3A_63] : memref<320000xi32, #tpu.memory_space<hbm>> -> memref<80xi32, #tpu.memory_space<hbm>>
          tpu.wait_dma2 semaphore(%run_scoped3A_81 : memref<!tpu.dma_semaphore, #tpu.memory_space<semaphore_mem>>) src(%dma_wait3A_97 : memref<80xi32, #tpu.memory_space<hbm>>) dst(%dma_wait3A_96 : memref<80xi32, #tpu.memory_space<vmem>>)
          tpu.yield
        }) : () -> ()
        %mul3A_65 = arith.constant 80 : i32
        %mul3A_66 = arith.muli %add3A_33, %mul3A_65 : i32
        %add3A_67 = arith.addi %mul3A_4, %mul3A_66 : i32
        %run_scoped3A_68 = arith.constant 1 : i32
        "tpu.region"() ({
          %run_scoped3A_81 = tpu.sem_alloc : memref<!tpu.dma_semaphore, #tpu.memory_space<semaphore_mem>>
          %dma_start3A_82 = arith.constant 0 : i32
          %dma_start3A_83 = tpu.memref_slice %arg8[%run_scoped3A_68, %dma_start3A_82] : memref<2x80xi32, #tpu.memory_space<vmem>> -> memref<1x80xi32, #tpu.memory_space<vmem>>
          %dma_start3A_84 = tpu.memref_squeeze %dma_start3A_83 : memref<1x80xi32, #tpu.memory_space<vmem>> -> memref<80xi32, #tpu.memory_space<vmem>>
          %dma_start3A_85 = tpu.memref_slice %arg4[%add3A_67] : memref<320000xi32, #tpu.memory_space<hbm>> -> memref<80xi32, #tpu.memory_space<hbm>>
          %dma_start3A_86 = arith.constant 0 : i32
          %dma_start3A_87 = tpu.memref_slice %arg8[%run_scoped3A_68, %dma_start3A_86] : memref<2x80xi32, #tpu.memory_space<vmem>> -> memref<1x80xi32, #tpu.memory_space<vmem>>
          %dma_start3A_88 = tpu.memref_squeeze %dma_start3A_87 : memref<1x80xi32, #tpu.memory_space<vmem>> -> memref<80xi32, #tpu.memory_space<vmem>>
          %dma_start3A_89 = tpu.memref_slice %arg4[%add3A_67] : memref<320000xi32, #tpu.memory_space<hbm>> -> memref<80xi32, #tpu.memory_space<hbm>>
          tpu.enqueue_dma source(%dma_start3A_89 : memref<80xi32, #tpu.memory_space<hbm>>) target(%dma_start3A_88 : memref<80xi32, #tpu.memory_space<vmem>>) target_semaphore(%run_scoped3A_81 : memref<!tpu.dma_semaphore, #tpu.memory_space<semaphore_mem>>)
          %dma_wait3A_90 = arith.constant 0 : i32
          %dma_wait3A_91 = tpu.memref_slice %arg8[%run_scoped3A_68, %dma_wait3A_90] : memref<2x80xi32, #tpu.memory_space<vmem>> -> memref<1x80xi32, #tpu.memory_space<vmem>>
          %dma_wait3A_92 = tpu.memref_squeeze %dma_wait3A_91 : memref<1x80xi32, #tpu.memory_space<vmem>> -> memref<80xi32, #tpu.memory_space<vmem>>
          %dma_wait3A_93 = tpu.memref_slice %arg4[%add3A_67] : memref<320000xi32, #tpu.memory_space<hbm>> -> memref<80xi32, #tpu.memory_space<hbm>>
          %dma_wait3A_94 = arith.constant 0 : i32
          %dma_wait3A_95 = tpu.memref_slice %arg8[%run_scoped3A_68, %dma_wait3A_94] : memref<2x80xi32, #tpu.memory_space<vmem>> -> memref<1x80xi32, #tpu.memory_space<vmem>>
          %dma_wait3A_96 = tpu.memref_squeeze %dma_wait3A_95 : memref<1x80xi32, #tpu.memory_space<vmem>> -> memref<80xi32, #tpu.memory_space<vmem>>
          %dma_wait3A_97 = tpu.memref_slice %arg4[%add3A_67] : memref<320000xi32, #tpu.memory_space<hbm>> -> memref<80xi32, #tpu.memory_space<hbm>>
          tpu.wait_dma2 semaphore(%run_scoped3A_81 : memref<!tpu.dma_semaphore, #tpu.memory_space<semaphore_mem>>) src(%dma_wait3A_97 : memref<80xi32, #tpu.memory_space<hbm>>) dst(%dma_wait3A_96 : memref<80xi32, #tpu.memory_space<vmem>>)
          tpu.yield
        }) : () -> ()
        %dma_start3A_69 = arith.constant 1 : i32
        %dma_start3A_70 = arith.constant 1 : i32
        %dma_start3A_71 = arith.constant 0 : i32
        %dma_start3A_72 = arith.constant 0 : i32
        %dma_start3A_73 = tpu.memref_slice %arg9[%dma_start3A_70, %dma_start3A_71, %dma_start3A_72] : memref<2x80x128xf32, #tpu.memory_space<vmem>> -> memref<1x80x128xf32, #tpu.memory_space<vmem>>
        %dma_start3A_74 = tpu.memref_squeeze %dma_start3A_73 : memref<1x80x128xf32, #tpu.memory_space<vmem>> -> memref<80x128xf32, #tpu.memory_space<vmem>>
        %dma_start3A_75 = arith.constant 0 : i32
        %dma_start3A_76 = tpu.memref_slice %arg7[%dma_start3A_69, %dma_start3A_75] : memref<2x80xi32, #tpu.memory_space<vmem>> -> memref<1x80xi32, #tpu.memory_space<vmem>>
        %dma_start3A_77 = tpu.memref_squeeze %dma_start3A_76 : memref<1x80xi32, #tpu.memory_space<vmem>> -> memref<80xi32, #tpu.memory_space<vmem>>
        %dma_start3A_78 = arith.constant 0 : i32
        %dma_start3A_79 = arith.constant 0 : i32
        %dma_start3A_80 = tpu.memref_slice %arg2[%dma_start3A_78, %dma_start3A_79] : memref<10000x128xf32, #tpu.memory_space<hbm>> -> memref<10000x128xf32, #tpu.memory_space<hbm>>
        tpu.enqueue_indirect_dma source(%dma_start3A_80 : memref<10000x128xf32, #tpu.memory_space<hbm>>) target(%dma_start3A_74 : memref<80x128xf32, #tpu.memory_space<vmem>>) offsets(%dma_start3A_77 : memref<80xi32, #tpu.memory_space<vmem>>) semaphore(%arg12 : memref<!tpu.dma_semaphore, #tpu.memory_space<semaphore_mem>>)
      } else {
      }
      %dma_wait3A = arith.constant 0 : i32
      %dma_wait3A_36 = arith.constant 0 : i32
      %dma_wait3A_37 = arith.constant 0 : i32
      %dma_wait3A_38 = arith.constant 0 : i32
      %dma_wait3A_39 = tpu.memref_slice %arg9[%dma_wait3A_36, %dma_wait3A_37, %dma_wait3A_38] : memref<2x80x128xf32, #tpu.memory_space<vmem>> -> memref<1x80x128xf32, #tpu.memory_space<vmem>>
      %dma_wait3A_40 = tpu.memref_squeeze %dma_wait3A_39 : memref<1x80x128xf32, #tpu.memory_space<vmem>> -> memref<80x128xf32, #tpu.memory_space<vmem>>
      %dma_wait3A_41 = arith.constant 0 : i32
      %dma_wait3A_42 = tpu.memref_slice %arg7[%dma_wait3A, %dma_wait3A_41] : memref<2x80xi32, #tpu.memory_space<vmem>> -> memref<1x80xi32, #tpu.memory_space<vmem>>
      %dma_wait3A_43 = tpu.memref_squeeze %dma_wait3A_42 : memref<1x80xi32, #tpu.memory_space<vmem>> -> memref<80xi32, #tpu.memory_space<vmem>>
      %dma_wait3A_44 = arith.constant 0 : i32
      %dma_wait3A_45 = arith.constant 0 : i32
      %dma_wait3A_46 = tpu.memref_slice %arg2[%dma_wait3A_44, %dma_wait3A_45] : memref<10000x128xf32, #tpu.memory_space<hbm>> -> memref<10000x128xf32, #tpu.memory_space<hbm>>
      tpu.wait_indirect_dma semaphore(%arg11 : memref<!tpu.dma_semaphore, #tpu.memory_space<semaphore_mem>>) src(%dma_wait3A_46 : memref<10000x128xf32, #tpu.memory_space<hbm>>) dst(%dma_wait3A_40 : memref<80x128xf32, #tpu.memory_space<vmem>>)
      %run_scoped3A_47 = arith.constant 0 : i32
      %run_scoped3A_48 = arith.constant 0 : i32
      "tpu.region"() ({
        %run_scoped3A_61 = tpu.sem_alloc : memref<!tpu.dma_semaphore, #tpu.memory_space<semaphore_mem>>
        %dma_start3A_62 = arith.constant 0 : i32
        %dma_start3A_63 = arith.constant 0 : i32
        %dma_start3A_64 = tpu.memref_slice %arg9[%run_scoped3A_47, %dma_start3A_62, %dma_start3A_63] : memref<2x80x128xf32, #tpu.memory_space<vmem>> -> memref<1x80x128xf32, #tpu.memory_space<vmem>>
        %dma_start3A_65 = tpu.memref_squeeze %dma_start3A_64 : memref<1x80x128xf32, #tpu.memory_space<vmem>> -> memref<80x128xf32, #tpu.memory_space<vmem>>
        %dma_start3A_66 = arith.constant 0 : i32
        %dma_start3A_67 = tpu.memref_slice %arg8[%run_scoped3A_48, %dma_start3A_66] : memref<2x80xi32, #tpu.memory_space<vmem>> -> memref<1x80xi32, #tpu.memory_space<vmem>>
        %dma_start3A_68 = tpu.memref_squeeze %dma_start3A_67 : memref<1x80xi32, #tpu.memory_space<vmem>> -> memref<80xi32, #tpu.memory_space<vmem>>
        %dma_start3A_69 = arith.constant 0 : i32
        %dma_start3A_70 = arith.constant 0 : i32
        %dma_start3A_71 = tpu.memref_slice %arg10[%dma_start3A_69, %dma_start3A_70] : memref<10240x128xf32, #tpu.memory_space<vmem_shared>> -> memref<10240x128xf32, #tpu.memory_space<vmem_shared>>
        tpu.enqueue_indirect_dma source(%dma_start3A_65 : memref<80x128xf32, #tpu.memory_space<vmem>>) target(%dma_start3A_71 : memref<10240x128xf32, #tpu.memory_space<vmem_shared>>) offsets(%dma_start3A_68 : memref<80xi32, #tpu.memory_space<vmem>>) semaphore(%run_scoped3A_61 : memref<!tpu.dma_semaphore, #tpu.memory_space<semaphore_mem>>) {add = true}
        %dma_wait3A_72 = arith.constant 0 : i32
        %dma_wait3A_73 = arith.constant 0 : i32
        %dma_wait3A_74 = tpu.memref_slice %arg9[%run_scoped3A_47, %dma_wait3A_72, %dma_wait3A_73] : memref<2x80x128xf32, #tpu.memory_space<vmem>> -> memref<1x80x128xf32, #tpu.memory_space<vmem>>
        %dma_wait3A_75 = tpu.memref_squeeze %dma_wait3A_74 : memref<1x80x128xf32, #tpu.memory_space<vmem>> -> memref<80x128xf32, #tpu.memory_space<vmem>>
        %dma_wait3A_76 = arith.constant 0 : i32
        %dma_wait3A_77 = tpu.memref_slice %arg8[%run_scoped3A_48, %dma_wait3A_76] : memref<2x80xi32, #tpu.memory_space<vmem>> -> memref<1x80xi32, #tpu.memory_space<vmem>>
        %dma_wait3A_78 = tpu.memref_squeeze %dma_wait3A_77 : memref<1x80xi32, #tpu.memory_space<vmem>> -> memref<80xi32, #tpu.memory_space<vmem>>
        %dma_wait3A_79 = arith.constant 0 : i32
        %dma_wait3A_80 = arith.constant 0 : i32
        %dma_wait3A_81 = tpu.memref_slice %arg10[%dma_wait3A_79, %dma_wait3A_80] : memref<10240x128xf32, #tpu.memory_space<vmem_shared>> -> memref<10240x128xf32, #tpu.memory_space<vmem_shared>>
        tpu.wait_indirect_dma semaphore(%run_scoped3A_61 : memref<!tpu.dma_semaphore, #tpu.memory_space<semaphore_mem>>) src(%dma_wait3A_75 : memref<80x128xf32, #tpu.memory_space<vmem>>) dst(%dma_wait3A_81 : memref<10240x128xf32, #tpu.memory_space<vmem_shared>>)
        tpu.yield
      }) : () -> ()
      %add3A_49 = arith.constant 2 : i32
      %add3A_50 = arith.addi %mul3A_29, %add3A_49 : i32
      %lt3A_51 = arith.constant 125 : i32
      %lt3A_52 = arith.cmpi slt, %add3A_50, %lt3A_51 : i32
      %convert_element_type3A_53 = arith.extui %lt3A_52 : i1 to i32
      %cond3A_54 = arith.constant 0 : i32
      %cond3A_55 = arith.cmpi ne, %convert_element_type3A_53, %cond3A_54 : i32
      scf.if %cond3A_55 {
        %add3A_61 = arith.constant 2 : i32
        %add3A_62 = arith.addi %mul3A_29, %add3A_61 : i32
        %mul3A_63 = arith.constant 80 : i32
        %mul3A_64 = arith.muli %add3A_62, %mul3A_63 : i32
        %add3A_65 = arith.addi %mul3A_4, %mul3A_64 : i32
        %run_scoped3A_66 = arith.constant 0 : i32
        "tpu.region"() ({
          %run_scoped3A_83 = tpu.sem_alloc : memref<!tpu.dma_semaphore, #tpu.memory_space<semaphore_mem>>
          %dma_start3A_84 = arith.constant 0 : i32
          %dma_start3A_85 = tpu.memref_slice %arg7[%run_scoped3A_66, %dma_start3A_84] : memref<2x80xi32, #tpu.memory_space<vmem>> -> memref<1x80xi32, #tpu.memory_space<vmem>>
          %dma_start3A_86 = tpu.memref_squeeze %dma_start3A_85 : memref<1x80xi32, #tpu.memory_space<vmem>> -> memref<80xi32, #tpu.memory_space<vmem>>
          %dma_start3A_87 = tpu.memref_slice %arg3[%add3A_65] : memref<320000xi32, #tpu.memory_space<hbm>> -> memref<80xi32, #tpu.memory_space<hbm>>
          %dma_start3A_88 = arith.constant 0 : i32
          %dma_start3A_89 = tpu.memref_slice %arg7[%run_scoped3A_66, %dma_start3A_88] : memref<2x80xi32, #tpu.memory_space<vmem>> -> memref<1x80xi32, #tpu.memory_space<vmem>>
          %dma_start3A_90 = tpu.memref_squeeze %dma_start3A_89 : memref<1x80xi32, #tpu.memory_space<vmem>> -> memref<80xi32, #tpu.memory_space<vmem>>
          %dma_start3A_91 = tpu.memref_slice %arg3[%add3A_65] : memref<320000xi32, #tpu.memory_space<hbm>> -> memref<80xi32, #tpu.memory_space<hbm>>
          tpu.enqueue_dma source(%dma_start3A_91 : memref<80xi32, #tpu.memory_space<hbm>>) target(%dma_start3A_90 : memref<80xi32, #tpu.memory_space<vmem>>) target_semaphore(%run_scoped3A_83 : memref<!tpu.dma_semaphore, #tpu.memory_space<semaphore_mem>>)
          %dma_wait3A_92 = arith.constant 0 : i32
          %dma_wait3A_93 = tpu.memref_slice %arg7[%run_scoped3A_66, %dma_wait3A_92] : memref<2x80xi32, #tpu.memory_space<vmem>> -> memref<1x80xi32, #tpu.memory_space<vmem>>
          %dma_wait3A_94 = tpu.memref_squeeze %dma_wait3A_93 : memref<1x80xi32, #tpu.memory_space<vmem>> -> memref<80xi32, #tpu.memory_space<vmem>>
          %dma_wait3A_95 = tpu.memref_slice %arg3[%add3A_65] : memref<320000xi32, #tpu.memory_space<hbm>> -> memref<80xi32, #tpu.memory_space<hbm>>
          %dma_wait3A_96 = arith.constant 0 : i32
          %dma_wait3A_97 = tpu.memref_slice %arg7[%run_scoped3A_66, %dma_wait3A_96] : memref<2x80xi32, #tpu.memory_space<vmem>> -> memref<1x80xi32, #tpu.memory_space<vmem>>
          %dma_wait3A_98 = tpu.memref_squeeze %dma_wait3A_97 : memref<1x80xi32, #tpu.memory_space<vmem>> -> memref<80xi32, #tpu.memory_space<vmem>>
          %dma_wait3A_99 = tpu.memref_slice %arg3[%add3A_65] : memref<320000xi32, #tpu.memory_space<hbm>> -> memref<80xi32, #tpu.memory_space<hbm>>
          tpu.wait_dma2 semaphore(%run_scoped3A_83 : memref<!tpu.dma_semaphore, #tpu.memory_space<semaphore_mem>>) src(%dma_wait3A_99 : memref<80xi32, #tpu.memory_space<hbm>>) dst(%dma_wait3A_98 : memref<80xi32, #tpu.memory_space<vmem>>)
          tpu.yield
        }) : () -> ()
        %mul3A_67 = arith.constant 80 : i32
        %mul3A_68 = arith.muli %add3A_62, %mul3A_67 : i32
        %add3A_69 = arith.addi %mul3A_4, %mul3A_68 : i32
        %run_scoped3A_70 = arith.constant 0 : i32
        "tpu.region"() ({
          %run_scoped3A_83 = tpu.sem_alloc : memref<!tpu.dma_semaphore, #tpu.memory_space<semaphore_mem>>
          %dma_start3A_84 = arith.constant 0 : i32
          %dma_start3A_85 = tpu.memref_slice %arg8[%run_scoped3A_70, %dma_start3A_84] : memref<2x80xi32, #tpu.memory_space<vmem>> -> memref<1x80xi32, #tpu.memory_space<vmem>>
          %dma_start3A_86 = tpu.memref_squeeze %dma_start3A_85 : memref<1x80xi32, #tpu.memory_space<vmem>> -> memref<80xi32, #tpu.memory_space<vmem>>
          %dma_start3A_87 = tpu.memref_slice %arg4[%add3A_69] : memref<320000xi32, #tpu.memory_space<hbm>> -> memref<80xi32, #tpu.memory_space<hbm>>
          %dma_start3A_88 = arith.constant 0 : i32
          %dma_start3A_89 = tpu.memref_slice %arg8[%run_scoped3A_70, %dma_start3A_88] : memref<2x80xi32, #tpu.memory_space<vmem>> -> memref<1x80xi32, #tpu.memory_space<vmem>>
          %dma_start3A_90 = tpu.memref_squeeze %dma_start3A_89 : memref<1x80xi32, #tpu.memory_space<vmem>> -> memref<80xi32, #tpu.memory_space<vmem>>
          %dma_start3A_91 = tpu.memref_slice %arg4[%add3A_69] : memref<320000xi32, #tpu.memory_space<hbm>> -> memref<80xi32, #tpu.memory_space<hbm>>
          tpu.enqueue_dma source(%dma_start3A_91 : memref<80xi32, #tpu.memory_space<hbm>>) target(%dma_start3A_90 : memref<80xi32, #tpu.memory_space<vmem>>) target_semaphore(%run_scoped3A_83 : memref<!tpu.dma_semaphore, #tpu.memory_space<semaphore_mem>>)
          %dma_wait3A_92 = arith.constant 0 : i32
          %dma_wait3A_93 = tpu.memref_slice %arg8[%run_scoped3A_70, %dma_wait3A_92] : memref<2x80xi32, #tpu.memory_space<vmem>> -> memref<1x80xi32, #tpu.memory_space<vmem>>
          %dma_wait3A_94 = tpu.memref_squeeze %dma_wait3A_93 : memref<1x80xi32, #tpu.memory_space<vmem>> -> memref<80xi32, #tpu.memory_space<vmem>>
          %dma_wait3A_95 = tpu.memref_slice %arg4[%add3A_69] : memref<320000xi32, #tpu.memory_space<hbm>> -> memref<80xi32, #tpu.memory_space<hbm>>
          %dma_wait3A_96 = arith.constant 0 : i32
          %dma_wait3A_97 = tpu.memref_slice %arg8[%run_scoped3A_70, %dma_wait3A_96] : memref<2x80xi32, #tpu.memory_space<vmem>> -> memref<1x80xi32, #tpu.memory_space<vmem>>
          %dma_wait3A_98 = tpu.memref_squeeze %dma_wait3A_97 : memref<1x80xi32, #tpu.memory_space<vmem>> -> memref<80xi32, #tpu.memory_space<vmem>>
          %dma_wait3A_99 = tpu.memref_slice %arg4[%add3A_69] : memref<320000xi32, #tpu.memory_space<hbm>> -> memref<80xi32, #tpu.memory_space<hbm>>
          tpu.wait_dma2 semaphore(%run_scoped3A_83 : memref<!tpu.dma_semaphore, #tpu.memory_space<semaphore_mem>>) src(%dma_wait3A_99 : memref<80xi32, #tpu.memory_space<hbm>>) dst(%dma_wait3A_98 : memref<80xi32, #tpu.memory_space<vmem>>)
          tpu.yield
        }) : () -> ()
        %dma_start3A_71 = arith.constant 0 : i32
        %dma_start3A_72 = arith.constant 0 : i32
        %dma_start3A_73 = arith.constant 0 : i32
        %dma_start3A_74 = arith.constant 0 : i32
        %dma_start3A_75 = tpu.memref_slice %arg9[%dma_start3A_72, %dma_start3A_73, %dma_start3A_74] : memref<2x80x128xf32, #tpu.memory_space<vmem>> -> memref<1x80x128xf32, #tpu.memory_space<vmem>>
        %dma_start3A_76 = tpu.memref_squeeze %dma_start3A_75 : memref<1x80x128xf32, #tpu.memory_space<vmem>> -> memref<80x128xf32, #tpu.memory_space<vmem>>
        %dma_start3A_77 = arith.constant 0 : i32
        %dma_start3A_78 = tpu.memref_slice %arg7[%dma_start3A_71, %dma_start3A_77] : memref<2x80xi32, #tpu.memory_space<vmem>> -> memref<1x80xi32, #tpu.memory_space<vmem>>
        %dma_start3A_79 = tpu.memref_squeeze %dma_start3A_78 : memref<1x80xi32, #tpu.memory_space<vmem>> -> memref<80xi32, #tpu.memory_space<vmem>>
        %dma_start3A_80 = arith.constant 0 : i32
        %dma_start3A_81 = arith.constant 0 : i32
        %dma_start3A_82 = tpu.memref_slice %arg2[%dma_start3A_80, %dma_start3A_81] : memref<10000x128xf32, #tpu.memory_space<hbm>> -> memref<10000x128xf32, #tpu.memory_space<hbm>>
        tpu.enqueue_indirect_dma source(%dma_start3A_82 : memref<10000x128xf32, #tpu.memory_space<hbm>>) target(%dma_start3A_76 : memref<80x128xf32, #tpu.memory_space<vmem>>) offsets(%dma_start3A_79 : memref<80xi32, #tpu.memory_space<vmem>>) semaphore(%arg11 : memref<!tpu.dma_semaphore, #tpu.memory_space<semaphore_mem>>)
      } else {
      }
      %lt3A_56 = arith.constant 125 : i32
      %lt3A_57 = arith.cmpi slt, %add3A_33, %lt3A_56 : i32
      %convert_element_type3A_58 = arith.extui %lt3A_57 : i1 to i32
      %cond3A_59 = arith.constant 0 : i32
      %cond3A_60 = arith.cmpi ne, %convert_element_type3A_58, %cond3A_59 : i32
      scf.if %cond3A_60 {
        %dma_wait3A_61 = arith.constant 1 : i32
        %dma_wait3A_62 = arith.constant 1 : i32
        %dma_wait3A_63 = arith.constant 0 : i32
        %dma_wait3A_64 = arith.constant 0 : i32
        %dma_wait3A_65 = tpu.memref_slice %arg9[%dma_wait3A_62, %dma_wait3A_63, %dma_wait3A_64] : memref<2x80x128xf32, #tpu.memory_space<vmem>> -> memref<1x80x128xf32, #tpu.memory_space<vmem>>
        %dma_wait3A_66 = tpu.memref_squeeze %dma_wait3A_65 : memref<1x80x128xf32, #tpu.memory_space<vmem>> -> memref<80x128xf32, #tpu.memory_space<vmem>>
        %dma_wait3A_67 = arith.constant 0 : i32
        %dma_wait3A_68 = tpu.memref_slice %arg7[%dma_wait3A_61, %dma_wait3A_67] : memref<2x80xi32, #tpu.memory_space<vmem>> -> memref<1x80xi32, #tpu.memory_space<vmem>>
        %dma_wait3A_69 = tpu.memref_squeeze %dma_wait3A_68 : memref<1x80xi32, #tpu.memory_space<vmem>> -> memref<80xi32, #tpu.memory_space<vmem>>
        %dma_wait3A_70 = arith.constant 0 : i32
        %dma_wait3A_71 = arith.constant 0 : i32
        %dma_wait3A_72 = tpu.memref_slice %arg2[%dma_wait3A_70, %dma_wait3A_71] : memref<10000x128xf32, #tpu.memory_space<hbm>> -> memref<10000x128xf32, #tpu.memory_space<hbm>>
        tpu.wait_indirect_dma semaphore(%arg12 : memref<!tpu.dma_semaphore, #tpu.memory_space<semaphore_mem>>) src(%dma_wait3A_72 : memref<10000x128xf32, #tpu.memory_space<hbm>>) dst(%dma_wait3A_66 : memref<80x128xf32, #tpu.memory_space<vmem>>)
        %run_scoped3A_73 = arith.constant 1 : i32
        %run_scoped3A_74 = arith.constant 1 : i32
        "tpu.region"() ({
          %run_scoped3A_75 = tpu.sem_alloc : memref<!tpu.dma_semaphore, #tpu.memory_space<semaphore_mem>>
          %dma_start3A_76 = arith.constant 0 : i32
          %dma_start3A_77 = arith.constant 0 : i32
          %dma_start3A_78 = tpu.memref_slice %arg9[%run_scoped3A_73, %dma_start3A_76, %dma_start3A_77] : memref<2x80x128xf32, #tpu.memory_space<vmem>> -> memref<1x80x128xf32, #tpu.memory_space<vmem>>
          %dma_start3A_79 = tpu.memref_squeeze %dma_start3A_78 : memref<1x80x128xf32, #tpu.memory_space<vmem>> -> memref<80x128xf32, #tpu.memory_space<vmem>>
          %dma_start3A_80 = arith.constant 0 : i32
          %dma_start3A_81 = tpu.memref_slice %arg8[%run_scoped3A_74, %dma_start3A_80] : memref<2x80xi32, #tpu.memory_space<vmem>> -> memref<1x80xi32, #tpu.memory_space<vmem>>
          %dma_start3A_82 = tpu.memref_squeeze %dma_start3A_81 : memref<1x80xi32, #tpu.memory_space<vmem>> -> memref<80xi32, #tpu.memory_space<vmem>>
          %dma_start3A_83 = arith.constant 0 : i32
          %dma_start3A_84 = arith.constant 0 : i32
          %dma_start3A_85 = tpu.memref_slice %arg10[%dma_start3A_83, %dma_start3A_84] : memref<10240x128xf32, #tpu.memory_space<vmem_shared>> -> memref<10240x128xf32, #tpu.memory_space<vmem_shared>>
          tpu.enqueue_indirect_dma source(%dma_start3A_79 : memref<80x128xf32, #tpu.memory_space<vmem>>) target(%dma_start3A_85 : memref<10240x128xf32, #tpu.memory_space<vmem_shared>>) offsets(%dma_start3A_82 : memref<80xi32, #tpu.memory_space<vmem>>) semaphore(%run_scoped3A_75 : memref<!tpu.dma_semaphore, #tpu.memory_space<semaphore_mem>>) {add = true}
          %dma_wait3A_86 = arith.constant 0 : i32
          %dma_wait3A_87 = arith.constant 0 : i32
          %dma_wait3A_88 = tpu.memref_slice %arg9[%run_scoped3A_73, %dma_wait3A_86, %dma_wait3A_87] : memref<2x80x128xf32, #tpu.memory_space<vmem>> -> memref<1x80x128xf32, #tpu.memory_space<vmem>>
          %dma_wait3A_89 = tpu.memref_squeeze %dma_wait3A_88 : memref<1x80x128xf32, #tpu.memory_space<vmem>> -> memref<80x128xf32, #tpu.memory_space<vmem>>
          %dma_wait3A_90 = arith.constant 0 : i32
          %dma_wait3A_91 = tpu.memref_slice %arg8[%run_scoped3A_74, %dma_wait3A_90] : memref<2x80xi32, #tpu.memory_space<vmem>> -> memref<1x80xi32, #tpu.memory_space<vmem>>
          %dma_wait3A_92 = tpu.memref_squeeze %dma_wait3A_91 : memref<1x80xi32, #tpu.memory_space<vmem>> -> memref<80xi32, #tpu.memory_space<vmem>>
          %dma_wait3A_93 = arith.constant 0 : i32
          %dma_wait3A_94 = arith.constant 0 : i32
          %dma_wait3A_95 = tpu.memref_slice %arg10[%dma_wait3A_93, %dma_wait3A_94] : memref<10240x128xf32, #tpu.memory_space<vmem_shared>> -> memref<10240x128xf32, #tpu.memory_space<vmem_shared>>
          tpu.wait_indirect_dma semaphore(%run_scoped3A_75 : memref<!tpu.dma_semaphore, #tpu.memory_space<semaphore_mem>>) src(%dma_wait3A_89 : memref<80x128xf32, #tpu.memory_space<vmem>>) dst(%dma_wait3A_95 : memref<10240x128xf32, #tpu.memory_space<vmem_shared>>)
          tpu.yield
        }) : () -> ()
      } else {
      }
    }
    %scan3A_25 = arith.constant 63 : i32
    %barrier3A_26 = arith.constant 0 : index
    tpu.barrier barrier_id(%barrier3A_26)
    "tpu.region"() ({
      %run_scoped3A_27 = tpu.sem_alloc : memref<!tpu.dma_semaphore, #tpu.memory_space<semaphore_mem>>
      %dma_start3A_28 = arith.constant 0 : i32
      %dma_start3A_29 = tpu.memref_slice %arg6[%arg0, %mul3A_0, %dma_start3A_28] : memref<2x10240x128xf32, #tpu.memory_space<hbm>> -> memref<1x640x128xf32, #tpu.memory_space<hbm>>
      %dma_start3A_30 = tpu.memref_squeeze %dma_start3A_29 : memref<1x640x128xf32, #tpu.memory_space<hbm>> -> memref<640x128xf32, #tpu.memory_space<hbm>>
      %dma_start3A_31 = arith.constant 0 : i32
      %dma_start3A_32 = tpu.memref_slice %arg10[%mul3A_0, %dma_start3A_31] : memref<10240x128xf32, #tpu.memory_space<vmem_shared>> -> memref<640x128xf32, #tpu.memory_space<vmem_shared>>
      tpu.enqueue_dma source(%dma_start3A_32 : memref<640x128xf32, #tpu.memory_space<vmem_shared>>) target(%dma_start3A_30 : memref<640x128xf32, #tpu.memory_space<hbm>>) target_semaphore(%run_scoped3A_27 : memref<!tpu.dma_semaphore, #tpu.memory_space<semaphore_mem>>)
      %dma_wait3A = arith.constant 0 : i32
      %dma_wait3A_33 = tpu.memref_slice %arg6[%arg0, %mul3A_0, %dma_wait3A] : memref<2x10240x128xf32, #tpu.memory_space<hbm>> -> memref<1x640x128xf32, #tpu.memory_space<hbm>>
      %dma_wait3A_34 = tpu.memref_squeeze %dma_wait3A_33 : memref<1x640x128xf32, #tpu.memory_space<hbm>> -> memref<640x128xf32, #tpu.memory_space<hbm>>
      %dma_wait3A_35 = arith.constant 0 : i32
      %dma_wait3A_36 = tpu.memref_slice %arg10[%mul3A_0, %dma_wait3A_35] : memref<10240x128xf32, #tpu.memory_space<vmem_shared>> -> memref<640x128xf32, #tpu.memory_space<vmem_shared>>
      tpu.wait_dma2 semaphore(%run_scoped3A_27 : memref<!tpu.dma_semaphore, #tpu.memory_space<semaphore_mem>>) src(%dma_wait3A_36 : memref<640x128xf32, #tpu.memory_space<vmem_shared>>) dst(%dma_wait3A_34 : memref<640x128xf32, #tpu.memory_space<hbm>>)
      tpu.yield
    }) : () -> ()
    return
  }
}

module attributes {stable_mosaic.version = 14 : i64} {
  func.func @hist(%arg0: memref<100x3200xi32, #tpu.memory_space<vmem>>, %arg1: memref<128x128xf32, #tpu.memory_space<vmem>>) attributes {dimension_semantics = [], scalar_prefetch = 0 : i64, scratch_operands = 0 : i64, tpu.core_type = #tpu.core_type<tc>} {
    %iota3A = tpu.iota {dimensions = array<i32: 1>} : vector<1x128xi32>
    %iota3A_0 = tpu.iota {dimensions = array<i32: 0>} : vector<128x1xi32>
    %broadcast_in_dim3A = arith.constant 0.000000e+00 : f32
    %broadcast_in_dim3A_1 = vector.broadcast %broadcast_in_dim3A : f32 to vector<128x128xf32>
    %scan3A = arith.constant 0 : i32
    %scan3A_2 = arith.constant 100 : i32
    %scan3A_3 = arith.addi %scan3A, %scan3A_2 : i32
    %scan3A_4 = arith.constant 1 : i32
    %scan3A_5 = scf.for %scan3A_9 = %scan3A to %scan3A_3 step %scan3A_4 iter_args(%scan3A_10 = %broadcast_in_dim3A_1) -> (vector<128x128xf32>)  : i32 {
      %get3A = arith.index_cast %scan3A_9 : i32 to index
      %get3A_11 = arith.constant 0 : index
      %get3A_12 = vector.load %arg0[%get3A, %get3A_11] : memref<100x3200xi32, #tpu.memory_space<vmem>>, vector<1x3200xi32>
      %transpose3A = tpu.transpose %get3A_12, [1, 0] : vector<1x3200xi32> -> vector<3200x1xi32>
      %jit3A = arith.constant 128 : i32
      %eq3A = arith.constant 0 : i32
      %eq3A_13 = arith.cmpi eq, %jit3A, %eq3A : i32
      %jit3A_14 = arith.constant 1 : i32
      %select_n3A = arith.select %eq3A_13, %jit3A_14, %jit3A : i32
      %rem3A = vector.broadcast %select_n3A : i32 to vector<3200x1xi32>
      %rem3A_15 = arith.remsi %transpose3A, %rem3A : vector<3200x1xi32>
      %ne3A = arith.constant 0 : i32
      %ne3A_16 = vector.broadcast %ne3A : i32 to vector<3200x1xi32>
      %ne3A_17 = arith.cmpi ne, %rem3A_15, %ne3A_16 : vector<3200x1xi32>
      %lt3A = arith.constant 0 : i32
      %lt3A_18 = vector.broadcast %lt3A : i32 to vector<3200x1xi32>
      %lt3A_19 = arith.cmpi slt, %rem3A_15, %lt3A_18 : vector<3200x1xi32>
      %lt3A_20 = arith.constant 0 : i32
      %lt3A_21 = arith.cmpi slt, %select_n3A, %lt3A_20 : i32
      %ne3A_22 = vector.broadcast %lt3A_21 : i1 to vector<3200x1xi1>
      %ne3A_23 = vector.broadcast %ne3A_22 : vector<3200x1xi1> to vector<3200x1xi1>
      %ne3A_24 = arith.xori %lt3A_19, %ne3A_23 : vector<3200x1xi1>
      %and3A = arith.andi %ne3A_24, %ne3A_17 : vector<3200x1xi1>
      %add3A = vector.broadcast %select_n3A : i32 to vector<3200x1xi32>
      %add3A_25 = arith.addi %rem3A_15, %add3A : vector<3200x1xi32>
      %select_n3A_26 = arith.select %and3A, %add3A_25, %rem3A_15 : vector<3200x1xi1>, vector<3200x1xi32>
      %eq3A_27 = vector.broadcast %select_n3A_26 : vector<3200x1xi32> to vector<3200x128xi32>
      %eq3A_28 = vector.broadcast %iota3A : vector<1x128xi32> to vector<3200x128xi32>
      %eq3A_29 = arith.cmpi eq, %eq3A_27, %eq3A_28 : vector<3200x128xi32>
      %convert_element_type3A = arith.extui %eq3A_29 : vector<3200x128xi1> to vector<3200x128xi32>
      %convert_element_type3A_30 = arith.sitofp %convert_element_type3A : vector<3200x128xi32> to vector<3200x128xf32>
      %convert_element_type3A_31 = arith.truncf %convert_element_type3A_30 : vector<3200x128xf32> to vector<3200x128xbf16>
      %jit3A_32 = arith.constant 128 : i32
      %div3A = vector.broadcast %jit3A_32 : i32 to vector<1x3200xi32>
      %div3A_33 = arith.divsi %get3A_12, %div3A : vector<1x3200xi32>
      %sign3A = arith.constant 0 : i32
      %sign3A_34 = vector.broadcast %sign3A : i32 to vector<1x3200xi32>
      %sign3A_35 = arith.cmpi sgt, %get3A_12, %sign3A_34 : vector<1x3200xi32>
      %sign3A_36 = arith.extui %sign3A_35 : vector<1x3200xi1> to vector<1x3200xi32>
      %sign3A_37 = arith.constant 0 : i32
      %sign3A_38 = vector.broadcast %sign3A_37 : i32 to vector<1x3200xi32>
      %sign3A_39 = arith.cmpi slt, %get3A_12, %sign3A_38 : vector<1x3200xi32>
      %sign3A_40 = arith.extui %sign3A_39 : vector<1x3200xi1> to vector<1x3200xi32>
      %sign3A_41 = arith.subi %sign3A_36, %sign3A_40 : vector<1x3200xi32>
      %sign3A_42 = arith.constant 0 : i32
      %sign3A_43 = arith.cmpi sgt, %jit3A_32, %sign3A_42 : i32
      %sign3A_44 = arith.extui %sign3A_43 : i1 to i32
      %sign3A_45 = arith.constant 0 : i32
      %sign3A_46 = arith.cmpi slt, %jit3A_32, %sign3A_45 : i32
      %sign3A_47 = arith.extui %sign3A_46 : i1 to i32
      %sign3A_48 = arith.subi %sign3A_44, %sign3A_47 : i32
      %ne3A_49 = vector.broadcast %sign3A_48 : i32 to vector<1x3200xi32>
      %ne3A_50 = arith.cmpi ne, %sign3A_41, %ne3A_49 : vector<1x3200xi32>
      %rem3A_51 = vector.broadcast %jit3A_32 : i32 to vector<1x3200xi32>
      %rem3A_52 = arith.remsi %get3A_12, %rem3A_51 : vector<1x3200xi32>
      %ne3A_53 = arith.constant 0 : i32
      %ne3A_54 = vector.broadcast %ne3A_53 : i32 to vector<1x3200xi32>
      %ne3A_55 = arith.cmpi ne, %rem3A_52, %ne3A_54 : vector<1x3200xi32>
      %and3A_56 = arith.andi %ne3A_50, %ne3A_55 : vector<1x3200xi1>
      %sub3A = arith.constant 1 : i32
      %sub3A_57 = vector.broadcast %sub3A : i32 to vector<1x3200xi32>
      %sub3A_58 = arith.subi %div3A_33, %sub3A_57 : vector<1x3200xi32>
      %select_n3A_59 = arith.select %and3A_56, %sub3A_58, %div3A_33 : vector<1x3200xi1>, vector<1x3200xi32>
      %eq3A_60 = vector.broadcast %select_n3A_59 : vector<1x3200xi32> to vector<128x3200xi32>
      %eq3A_61 = vector.broadcast %iota3A_0 : vector<128x1xi32> to vector<128x3200xi32>
      %eq3A_62 = arith.cmpi eq, %eq3A_60, %eq3A_61 : vector<128x3200xi32>
      %convert_element_type3A_63 = arith.extui %eq3A_62 : vector<128x3200xi1> to vector<128x3200xi32>
      %convert_element_type3A_64 = arith.sitofp %convert_element_type3A_63 : vector<128x3200xi32> to vector<128x3200xf32>
      %convert_element_type3A_65 = arith.truncf %convert_element_type3A_64 : vector<128x3200xf32> to vector<128x3200xbf16>
      %dot_general3A = arith.constant dense<0.000000e+00> : vector<128x128xf32>
      %dot_general3A_66 = tpu.matmul %convert_element_type3A_65, %convert_element_type3A_31, %dot_general3A {dimension_numbers = #tpu.dot_dimension_numbers<[1], [0], [0], [1], [0, 0, 1, 1], [], []>, transpose_lhs_hint = false} : vector<128x3200xbf16>, vector<3200x128xbf16>, vector<128x128xf32> -> vector<128x128xf32>
      %add3A_67 = arith.addf %scan3A_10, %dot_general3A_66 : vector<128x128xf32>
      scf.yield %add3A_67 : vector<128x128xf32>
    }
    %scan3A_6 = arith.constant 100 : i32
    %swap3A = arith.constant 0 : index
    %swap3A_7 = arith.constant 0 : index
    %swap3A_8 = vector.load %arg1[%swap3A, %swap3A_7] : memref<128x128xf32, #tpu.memory_space<vmem>>, vector<128x128xf32>
    tpu.vector_store %arg1[%swap3A, %swap3A_7], %scan3A_5 {strides = array<i32>} : memref<128x128xf32, #tpu.memory_space<vmem>>, vector<128x128xf32>,
    return
  }
}

module attributes {stable_mosaic.version = 14 : i64} {
  func.func @dense2head(%arg0: i32, %arg1: memref<2x1000x128xf32, #tpu.memory_space<vmem>>, %arg2: memref<1000x1xf32, #tpu.memory_space<vmem>>, %arg3: memref<1000x128xf32, #tpu.memory_space<vmem>>, %arg4: memref<128x128xf32, #tpu.memory_space<vmem>>, %arg5: memref<128x128xf32, #tpu.memory_space<vmem>>, %arg6: memref<1x128xf32, #tpu.memory_space<vmem>>, %arg7: memref<1x128xf32, #tpu.memory_space<vmem>>, %arg8: memref<1x1xf32, #tpu.memory_space<vmem>>, %arg9: memref<1000x1xf32, #tpu.memory_space<vmem>>) attributes {dimension_semantics = [#tpu.dimension_semantics<arbitrary>], iteration_bounds = array<i64: 10>, scalar_prefetch = 0 : i64, scratch_operands = 0 : i64, tpu.core_type = #tpu.core_type<tc>, window_params = [{transform_indices = @transform_0, window_bounds = array<i64: 2, 1000, 128>}, {transform_indices = @transform_1, window_bounds = array<i64: 1000, 1>}, {transform_indices = @transform_2, window_bounds = array<i64: 1000, 128>}, {pipeline_mode = #tpu.pipeline_mode<synchronous>, transform_indices = @transform_3, window_bounds = array<i64: 128, 128>}, {pipeline_mode = #tpu.pipeline_mode<synchronous>, transform_indices = @transform_4, window_bounds = array<i64: 128, 128>}, {pipeline_mode = #tpu.pipeline_mode<synchronous>, transform_indices = @transform_5, window_bounds = array<i64: 1, 128>}, {pipeline_mode = #tpu.pipeline_mode<synchronous>, transform_indices = @transform_6, window_bounds = array<i64: 1, 128>}, {pipeline_mode = #tpu.pipeline_mode<synchronous>, transform_indices = @transform_7, window_bounds = array<i64: 1, 1>}, {transform_indices = @transform_8, window_bounds = array<i64: 1000, 1>}]} {
    %get3A = arith.constant 0 : index
    %get3A_0 = arith.constant 0 : index
    %get3A_1 = arith.constant 0 : index
    %get3A_2 = vector.load %arg1[%get3A, %get3A_0, %get3A_1] : memref<2x1000x128xf32, #tpu.memory_space<vmem>>, vector<1x1000x128xf32>
    %get3A_3 = vector.shape_cast %get3A_2 : vector<1x1000x128xf32> to vector<1000x128xf32>
    %get3A_4 = arith.constant 1 : index
    %get3A_5 = arith.constant 0 : index
    %get3A_6 = arith.constant 0 : index
    %get3A_7 = vector.load %arg1[%get3A_4, %get3A_5, %get3A_6] : memref<2x1000x128xf32, #tpu.memory_space<vmem>>, vector<1x1000x128xf32>
    %get3A_8 = vector.shape_cast %get3A_7 : vector<1x1000x128xf32> to vector<1000x128xf32>
    %add3A = arith.addf %get3A_3, %get3A_8 : vector<1000x128xf32>
    %get3A_9 = arith.constant 0 : index
    %get3A_10 = arith.constant 0 : index
    %get3A_11 = vector.load %arg2[%get3A_9, %get3A_10] : memref<1000x1xf32, #tpu.memory_space<vmem>>, vector<1000x1xf32>
    %max3A = arith.constant 1.000000e+00 : f32
    %max3A_12 = vector.broadcast %max3A : f32 to vector<1000x1xf32>
    %max3A_13 = arith.maximumf %get3A_11, %max3A_12 : vector<1000x1xf32>
    %div3A = vector.broadcast %max3A_13 : vector<1000x1xf32> to vector<1000x128xf32>
    %div3A_14 = arith.divf %add3A, %div3A : vector<1000x128xf32>
    %get3A_15 = arith.constant 0 : index
    %get3A_16 = arith.constant 0 : index
    %get3A_17 = vector.load %arg4[%get3A_15, %get3A_16] : memref<128x128xf32, #tpu.memory_space<vmem>>, vector<128x128xf32>
    %dot_general3A = arith.constant dense<0.000000e+00> : vector<1000x128xf32>
    %dot_general3A_18 = tpu.matmul %div3A_14, %get3A_17, %dot_general3A {dimension_numbers = #tpu.dot_dimension_numbers<[1], [0], [0], [1], [0, 0, 1, 1], [], []>, transpose_lhs_hint = false} : vector<1000x128xf32>, vector<128x128xf32>, vector<1000x128xf32> -> vector<1000x128xf32>
    %get3A_19 = arith.constant 0 : index
    %get3A_20 = arith.constant 0 : index
    %get3A_21 = vector.load %arg3[%get3A_19, %get3A_20] : memref<1000x128xf32, #tpu.memory_space<vmem>>, vector<1000x128xf32>
    %get3A_22 = arith.constant 0 : index
    %get3A_23 = arith.constant 0 : index
    %get3A_24 = vector.load %arg5[%get3A_22, %get3A_23] : memref<128x128xf32, #tpu.memory_space<vmem>>, vector<128x128xf32>
    %dot_general3A_25 = arith.constant dense<0.000000e+00> : vector<1000x128xf32>
    %dot_general3A_26 = tpu.matmul %get3A_21, %get3A_24, %dot_general3A_25 {dimension_numbers = #tpu.dot_dimension_numbers<[1], [0], [0], [1], [0, 0, 1, 1], [], []>, transpose_lhs_hint = false} : vector<1000x128xf32>, vector<128x128xf32>, vector<1000x128xf32> -> vector<1000x128xf32>
    %add3A_27 = arith.addf %dot_general3A_18, %dot_general3A_26 : vector<1000x128xf32>
    %get3A_28 = arith.constant 0 : index
    %get3A_29 = arith.constant 0 : index
    %get3A_30 = vector.load %arg6[%get3A_28, %get3A_29] : memref<1x128xf32, #tpu.memory_space<vmem>>, vector<1x128xf32>
    %add3A_31 = vector.broadcast %get3A_30 : vector<1x128xf32> to vector<1000x128xf32>
    %add3A_32 = arith.addf %add3A_27, %add3A_31 : vector<1000x128xf32>
    %max3A_33 = arith.constant 0.000000e+00 : f32
    %max3A_34 = vector.broadcast %max3A_33 : f32 to vector<1000x128xf32>
    %max3A_35 = arith.maximumf %add3A_32, %max3A_34 : vector<1000x128xf32>
    %get3A_36 = arith.constant 0 : index
    %get3A_37 = arith.constant 0 : index
    %get3A_38 = vector.load %arg7[%get3A_36, %get3A_37] : memref<1x128xf32, #tpu.memory_space<vmem>>, vector<1x128xf32>
    %mul3A = vector.broadcast %get3A_38 : vector<1x128xf32> to vector<1000x128xf32>
    %mul3A_39 = arith.mulf %max3A_35, %mul3A : vector<1000x128xf32>
    %reduce_sum3A = arith.constant dense<0.000000e+00> : vector<1000xf32>
    %reduce_sum3A_40 = vector.multi_reduction <add>, %mul3A_39, %reduce_sum3A [1] : vector<1000x128xf32> to vector<1000xf32>
    %broadcast_in_dim3A = vector.shape_cast %reduce_sum3A_40 : vector<1000xf32> to vector<1000x1xf32>
    %get3A_41 = arith.constant 0 : index
    %get3A_42 = arith.constant 0 : index
    %get3A_43 = vector.load %arg8[%get3A_41, %get3A_42] : memref<1x1xf32, #tpu.memory_space<vmem>>, vector<1x1xf32>
    %add3A_44 = vector.broadcast %get3A_43 : vector<1x1xf32> to vector<1000x1xf32>
    %add3A_45 = arith.addf %broadcast_in_dim3A, %add3A_44 : vector<1000x1xf32>
    %swap3A = arith.constant 0 : index
    %swap3A_46 = arith.constant 0 : index
    %swap3A_47 = vector.load %arg9[%swap3A, %swap3A_46] : memref<1000x1xf32, #tpu.memory_space<vmem>>, vector<1000x1xf32>
    tpu.vector_store %arg9[%swap3A, %swap3A_46], %add3A_45 {strides = array<i32>} : memref<1000x1xf32, #tpu.memory_space<vmem>>, vector<1000x1xf32>,
    return
  }
  func.func @transform_0(%arg0: i32) -> (i32, i32, i32) {
    %c0_i32 = arith.constant 0 : i32
    %c0_i32_0 = arith.constant 0 : i32
    %c0_i32_1 = arith.constant 0 : i32
    return %c0_i32, %arg0, %c0_i32_0 : i32, i32, i32
  }
  func.func @transform_1(%arg0: i32) -> (i32, i32) {
    %c0_i32 = arith.constant 0 : i32
    %c0_i32_0 = arith.constant 0 : i32
    return %arg0, %c0_i32 : i32, i32
  }
  func.func @transform_2(%arg0: i32) -> (i32, i32) {
    %c0_i32 = arith.constant 0 : i32
    %c0_i32_0 = arith.constant 0 : i32
    return %arg0, %c0_i32 : i32, i32
  }
  func.func @transform_3(%arg0: i32) -> (i32, i32) {
    %c0_i32 = arith.constant 0 : i32
    %c0_i32_0 = arith.constant 0 : i32
    %c0_i32_1 = arith.constant 0 : i32
    return %c0_i32, %c0_i32_0 : i32, i32
  }
  func.func @transform_4(%arg0: i32) -> (i32, i32) {
    %c0_i32 = arith.constant 0 : i32
    %c0_i32_0 = arith.constant 0 : i32
    %c0_i32_1 = arith.constant 0 : i32
    return %c0_i32, %c0_i32_0 : i32, i32
  }
  func.func @transform_5(%arg0: i32) -> (i32, i32) {
    %c0_i32 = arith.constant 0 : i32
    %c0_i32_0 = arith.constant 0 : i32
    %c0_i32_1 = arith.constant 0 : i32
    return %c0_i32, %c0_i32_0 : i32, i32
  }
  func.func @transform_6(%arg0: i32) -> (i32, i32) {
    %c0_i32 = arith.constant 0 : i32
    %c0_i32_0 = arith.constant 0 : i32
    %c0_i32_1 = arith.constant 0 : i32
    return %c0_i32, %c0_i32_0 : i32, i32
  }
  func.func @transform_7(%arg0: i32) -> (i32, i32) {
    %c0_i32 = arith.constant 0 : i32
    %c0_i32_0 = arith.constant 0 : i32
    %c0_i32_1 = arith.constant 0 : i32
    return %c0_i32, %c0_i32_0 : i32, i32
  }
  func.func @transform_8(%arg0: i32) -> (i32, i32) {
    %c0_i32 = arith.constant 0 : i32
    %c0_i32_0 = arith.constant 0 : i32
    return %arg0, %c0_i32 : i32, i32
  }
}

module attributes {stable_mosaic.version = 14 : i64} {
  func.func @dense1(%arg0: i32, %arg1: memref<2x1000x128xf32, #tpu.memory_space<vmem>>, %arg2: memref<1000x1xf32, #tpu.memory_space<vmem>>, %arg3: memref<1000x128xf32, #tpu.memory_space<vmem>>, %arg4: memref<128x128xf32, #tpu.memory_space<vmem>>, %arg5: memref<128x128xf32, #tpu.memory_space<vmem>>, %arg6: memref<1x128xf32, #tpu.memory_space<vmem>>, %arg7: memref<1000x128xf32, #tpu.memory_space<vmem>>) attributes {dimension_semantics = [#tpu.dimension_semantics<arbitrary>], iteration_bounds = array<i64: 10>, scalar_prefetch = 0 : i64, scratch_operands = 0 : i64, tpu.core_type = #tpu.core_type<tc>, window_params = [{transform_indices = @transform_0, window_bounds = array<i64: 2, 1000, 128>}, {transform_indices = @transform_1, window_bounds = array<i64: 1000, 1>}, {transform_indices = @transform_2, window_bounds = array<i64: 1000, 128>}, {pipeline_mode = #tpu.pipeline_mode<synchronous>, transform_indices = @transform_3, window_bounds = array<i64: 128, 128>}, {pipeline_mode = #tpu.pipeline_mode<synchronous>, transform_indices = @transform_4, window_bounds = array<i64: 128, 128>}, {pipeline_mode = #tpu.pipeline_mode<synchronous>, transform_indices = @transform_5, window_bounds = array<i64: 1, 128>}, {transform_indices = @transform_6, window_bounds = array<i64: 1000, 128>}]} {
    %get3A = arith.constant 0 : index
    %get3A_0 = arith.constant 0 : index
    %get3A_1 = arith.constant 0 : index
    %get3A_2 = vector.load %arg1[%get3A, %get3A_0, %get3A_1] : memref<2x1000x128xf32, #tpu.memory_space<vmem>>, vector<1x1000x128xf32>
    %get3A_3 = vector.shape_cast %get3A_2 : vector<1x1000x128xf32> to vector<1000x128xf32>
    %get3A_4 = arith.constant 1 : index
    %get3A_5 = arith.constant 0 : index
    %get3A_6 = arith.constant 0 : index
    %get3A_7 = vector.load %arg1[%get3A_4, %get3A_5, %get3A_6] : memref<2x1000x128xf32, #tpu.memory_space<vmem>>, vector<1x1000x128xf32>
    %get3A_8 = vector.shape_cast %get3A_7 : vector<1x1000x128xf32> to vector<1000x128xf32>
    %add3A = arith.addf %get3A_3, %get3A_8 : vector<1000x128xf32>
    %get3A_9 = arith.constant 0 : index
    %get3A_10 = arith.constant 0 : index
    %get3A_11 = vector.load %arg2[%get3A_9, %get3A_10] : memref<1000x1xf32, #tpu.memory_space<vmem>>, vector<1000x1xf32>
    %max3A = arith.constant 1.000000e+00 : f32
    %max3A_12 = vector.broadcast %max3A : f32 to vector<1000x1xf32>
    %max3A_13 = arith.maximumf %get3A_11, %max3A_12 : vector<1000x1xf32>
    %div3A = vector.broadcast %max3A_13 : vector<1000x1xf32> to vector<1000x128xf32>
    %div3A_14 = arith.divf %add3A, %div3A : vector<1000x128xf32>
    %get3A_15 = arith.constant 0 : index
    %get3A_16 = arith.constant 0 : index
    %get3A_17 = vector.load %arg4[%get3A_15, %get3A_16] : memref<128x128xf32, #tpu.memory_space<vmem>>, vector<128x128xf32>
    %dot_general3A = arith.constant dense<0.000000e+00> : vector<1000x128xf32>
    %dot_general3A_18 = tpu.matmul %div3A_14, %get3A_17, %dot_general3A {dimension_numbers = #tpu.dot_dimension_numbers<[1], [0], [0], [1], [0, 0, 1, 1], [], []>, transpose_lhs_hint = false} : vector<1000x128xf32>, vector<128x128xf32>, vector<1000x128xf32> -> vector<1000x128xf32>
    %get3A_19 = arith.constant 0 : index
    %get3A_20 = arith.constant 0 : index
    %get3A_21 = vector.load %arg3[%get3A_19, %get3A_20] : memref<1000x128xf32, #tpu.memory_space<vmem>>, vector<1000x128xf32>
    %get3A_22 = arith.constant 0 : index
    %get3A_23 = arith.constant 0 : index
    %get3A_24 = vector.load %arg5[%get3A_22, %get3A_23] : memref<128x128xf32, #tpu.memory_space<vmem>>, vector<128x128xf32>
    %dot_general3A_25 = arith.constant dense<0.000000e+00> : vector<1000x128xf32>
    %dot_general3A_26 = tpu.matmul %get3A_21, %get3A_24, %dot_general3A_25 {dimension_numbers = #tpu.dot_dimension_numbers<[1], [0], [0], [1], [0, 0, 1, 1], [], []>, transpose_lhs_hint = false} : vector<1000x128xf32>, vector<128x128xf32>, vector<1000x128xf32> -> vector<1000x128xf32>
    %add3A_27 = arith.addf %dot_general3A_18, %dot_general3A_26 : vector<1000x128xf32>
    %get3A_28 = arith.constant 0 : index
    %get3A_29 = arith.constant 0 : index
    %get3A_30 = vector.load %arg6[%get3A_28, %get3A_29] : memref<1x128xf32, #tpu.memory_space<vmem>>, vector<1x128xf32>
    %add3A_31 = vector.broadcast %get3A_30 : vector<1x128xf32> to vector<1000x128xf32>
    %add3A_32 = arith.addf %add3A_27, %add3A_31 : vector<1000x128xf32>
    %max3A_33 = arith.constant 0.000000e+00 : f32
    %max3A_34 = vector.broadcast %max3A_33 : f32 to vector<1000x128xf32>
    %max3A_35 = arith.maximumf %add3A_32, %max3A_34 : vector<1000x128xf32>
    %swap3A = arith.constant 0 : index
    %swap3A_36 = arith.constant 0 : index
    %swap3A_37 = vector.load %arg7[%swap3A, %swap3A_36] : memref<1000x128xf32, #tpu.memory_space<vmem>>, vector<1000x128xf32>
    tpu.vector_store %arg7[%swap3A, %swap3A_36], %max3A_35 {strides = array<i32>} : memref<1000x128xf32, #tpu.memory_space<vmem>>, vector<1000x128xf32>,
    return
  }
  func.func @transform_0(%arg0: i32) -> (i32, i32, i32) {
    %c0_i32 = arith.constant 0 : i32
    %c0_i32_0 = arith.constant 0 : i32
    %c0_i32_1 = arith.constant 0 : i32
    return %c0_i32, %arg0, %c0_i32_0 : i32, i32, i32
  }
  func.func @transform_1(%arg0: i32) -> (i32, i32) {
    %c0_i32 = arith.constant 0 : i32
    %c0_i32_0 = arith.constant 0 : i32
    return %arg0, %c0_i32 : i32, i32
  }
  func.func @transform_2(%arg0: i32) -> (i32, i32) {
    %c0_i32 = arith.constant 0 : i32
    %c0_i32_0 = arith.constant 0 : i32
    return %arg0, %c0_i32 : i32, i32
  }
  func.func @transform_3(%arg0: i32) -> (i32, i32) {
    %c0_i32 = arith.constant 0 : i32
    %c0_i32_0 = arith.constant 0 : i32
    %c0_i32_1 = arith.constant 0 : i32
    return %c0_i32, %c0_i32_0 : i32, i32
  }
  func.func @transform_4(%arg0: i32) -> (i32, i32) {
    %c0_i32 = arith.constant 0 : i32
    %c0_i32_0 = arith.constant 0 : i32
    %c0_i32_1 = arith.constant 0 : i32
    return %c0_i32, %c0_i32_0 : i32, i32
  }
  func.func @transform_5(%arg0: i32) -> (i32, i32) {
    %c0_i32 = arith.constant 0 : i32
    %c0_i32_0 = arith.constant 0 : i32
    %c0_i32_1 = arith.constant 0 : i32
    return %c0_i32, %c0_i32_0 : i32, i32
  }
  func.func @transform_6(%arg0: i32) -> (i32, i32) {
    %c0_i32 = arith.constant 0 : i32
    %c0_i32_0 = arith.constant 0 : i32
    return %arg0, %c0_i32 : i32, i32
  }
}

</mosaic_0001>

<sc_bundles>
// kernel: kernel.4.cloned.1.call-start
scs
__scs_entry_jumppad:
0x0: {  	(pc) =	sbr.rel $0x88, $3  }
0x1: {  	(tag) =	ssettag $0x0;
	lr =	simm.s32 $0x1  }
0x2: {  	[smem:$0x3F97] =	sst lr;
	_ =	strace $0xD0000000  }
0x3: {  	_ = 	snop  }
0x4: {  	_ = 	snop  }
0x5: {  	_ = 	snop  }
0x6: {  	_ = 	snop  }
0x7: {  	_ = 	snop  }
__scs_overlays_trampoline_lowered:
0x8: {  	[smem:$0x3FA6] =	sst s0  }
0x9: {  	[smem:$0x3FA7] =	sst s1  }
0xa: {  	[smem:$0x3FA8] =	sst s2  }
0xb: {  	[smem:$0x3FA9] =	sst s3  }
0xc: {  	[smem:$0x3FAA] =	sst s4  }
0xd: {  	[smem:$0x3FAB] =	sst s5  }
0xe: {  	[smem:$0x3FAC] =	sst s6  }
0xf: {  	[smem:$0x3FAD] =	sst s7  }
0x10: {  	[smem:$0x3FAE] =	sst s8  }
0x11: {  	[smem:$0x3FAF] =	sst s9;
	s0 =	simm.s32 @!p0 $0x0  }
0x12: {  	s1 =	sld [smem:$0x3F95];
	s0 =	simm.s32 @p0 $0x1  }
0x13: {  	[smem:$0x3FB0] =	sst s0;
	s0 =	simm.s32 @!p1 $0x0  }
0x14: {  	s2 =	sld [smem:$0x3F94];
	s0 =	simm.s32 @p1 $0x1  }
0x15: {  	[smem:$0x3FB1] =	sst s0;
	s0 =	simm.s32 @!p2 $0x0  }
0x16: {  	s3 =	sld [smem:$0x3FDB];
	s0 =	simm.s32 @p2 $0x1  }
0x17: {  	s4 =	simm.s32 $0x1BF5;
	[smem:$0x3FB3] =	sst s0  }
0x18: {  	s0 =	sld [smem:$0x3F96];
	_ =	swait.ge [sflag:s4], $0x0  }
0x19: {  	s7 =	sld [smem:$0x3F97]  }
0x1a: {  	s8 =	sadd.s32 $0xFFFFE003, lr  }
0x1b: {  	s9 =	sadd.s32 $0xFFFFFEF7, lr;
	s5 =	simm.s32 $0xFFFFFFFF;
	p2 =	slt.u32 s8, $0xFFFFF086  }
0x1c: {  	p1 =	slt.u32 s9, $0xF7A;
	s5 =	simm.s32 @!p2 $0x0  }
0x1d: {  	s5 =	simm.s32 @p1 $0x1;
	p0 =	seq.s32 s7, s2  }
0x1e: {  	s7 =	smul.u32 @!p0 $0xF7A, s2;
	p2 =	seq.s32 @!p0 s5, $0x0  }
0x1f: {  	s9 =	smul.u32 $0xF7A, s1;
	s8 =	simm.s32 @!p0 $0x1BF5;
	p2 =	por !p2, p0  }
0x20: {  	[sflag:s8] =	ssyncset.s32 @!p0 $0xFFFFF086;
	s6 =	sadd.s32 @!p0 s3, s7;
	s7 =	simm.s32 @!p0 $0x108  }
0x21: {  	s3 =	sadd.s32 s3, s9;
	s6 =	sadd.s32 @!p0 $0x88, s6;
	s7 =	simm.s32 @p2 $0x1082  }
0x22: {  	[simem:s7], [sflag:s8] =	dma.local @!p0 [hbm:s6], $0xF7A  }
0x23: {  	s9 =	sor.u32 $0xD0000000, s2;
	s6 =	simm.s32 $0x108;
	_ =	swait.ge @!p0 [sflag:s8], $0x0  }
0x24: {  	s3 =	sadd.s32 $0x88, s3;
	s6 =	simm.s32 @!p1 $0x1082;
	[sflag:s4] =	ssyncset.s32 $0xFFFFF086  }
0x25: {  	[simem:s6], [sflag:s4] =	dma.local [hbm:s3], $0xF7A  }
0x26: {  	[smem:$0x3F97] =	sst s1;
	(tag) =	ssettag s2;
	_ =	strace s9  }
0x27: {  	s1 =	sld [smem:$0x3FA7]  }
0x28: {  	s2 =	sld [smem:$0x3FA8]  }
0x29: {  	s4 =	sld [smem:$0x3FAA]  }
0x2a: {  	p0 =	seq.s32 s5, $0x0;
	s5 =	sld [smem:$0x3FAB]  }
0x2b: {  	s6 =	sld [smem:$0x3FAC]  }
0x2c: {  	s7 =	sld [smem:$0x3FAD]  }
0x2d: {  	s3 =	simm.s32 $0x108;
	s8 =	sld [smem:$0x3FAE]  }
0x2e: {  	s3 =	simm.s32 @!p0 $0x1082;
	s9 =	sld [smem:$0x3FAF]  }
0x2f: {  	lr =	sadd.s32 s0, s3;
	s0 =	sld [smem:$0x3FA6]  }
0x30: {  	s3 =	sld [smem:$0x3FA9]  }
0x31: {  	[smem:$0x3FB2] =	sst s10  }
0x32: {  	s10 =	sld [smem:$0x3FB0];
	_ =	sdelay $0x3  }
0x33: {  	p0 =	seq.s32 s10, $0x1;
	s10 =	sld [smem:$0x3FB2];
	_ =	sdelay $0x3  }
0x34: {  	[smem:$0x3FB2] =	sst s10  }
0x35: {  	s10 =	sld [smem:$0x3FB1];
	_ =	sdelay $0x3  }
0x36: {  	p1 =	seq.s32 s10, $0x1;
	s10 =	sld [smem:$0x3FB2];
	_ =	sdelay $0x3  }
0x37: {  	[smem:$0x3FB2] =	sst s10  }
0x38: {  	s10 =	sld [smem:$0x3FB3]  }
0x39: {  	_ = 	snop;
	(pc) =	sbr.ind lr, $3  }
0x3a: {  	_ = 	snop  }
0x3b: {  	_ = 	snop  }
0x3c: {  	p2 =	seq.s32 s10, $0x1;
	s10 =	sld [smem:$0x3FB2]  }
0x3d: {  	_ =	shalt  }
0x3e: {  	_ =	shalt  }
0x3f: {  	_ =	shalt  }
0x40: {  	_ =	shalt  }
0x41: {  	_ =	shalt  }
0x42: {  	_ =	shalt  }
0x43: {  	_ =	shalt  }
0x44: {  	_ =	shalt  }
0x45: {  	_ =	shalt  }
0x46: {  	_ =	shalt  }
0x47: {  	_ =	shalt  }
0x48: {  	_ =	shalt  }
0x49: {  	_ =	shalt  }
0x4a: {  	_ =	shalt  }
0x4b: {  	_ =	shalt  }
0x4c: {  	_ =	shalt  }
0x4d: {  	_ =	shalt  }
0x4e: {  	_ =	shalt  }
0x4f: {  	_ =	shalt  }
0x50: {  	_ =	shalt  }
0x51: {  	_ =	shalt  }
0x52: {  	_ =	shalt  }
0x53: {  	_ =	shalt  }
0x54: {  	_ =	shalt  }
0x55: {  	_ =	shalt  }
0x56: {  	_ =	shalt  }
0x57: {  	_ =	shalt  }
0x58: {  	_ =	shalt  }
0x59: {  	_ =	shalt  }
0x5a: {  	_ =	shalt  }
0x5b: {  	_ =	shalt  }
0x5c: {  	_ =	shalt  }
0x5d: {  	_ =	shalt  }
0x5e: {  	_ =	shalt  }
0x5f: {  	_ =	shalt  }
0x60: {  	_ =	shalt  }
0x61: {  	_ =	shalt  }
0x62: {  	_ =	shalt  }
0x63: {  	_ =	shalt  }
0x64: {  	_ =	shalt  }
0x65: {  	_ =	shalt  }
0x66: {  	_ =	shalt  }
0x67: {  	_ =	shalt  }
0x68: {  	_ =	shalt  }
0x69: {  	_ =	shalt  }
0x6a: {  	_ =	shalt  }
0x6b: {  	_ =	shalt  }
0x6c: {  	_ =	shalt  }
0x6d: {  	_ =	shalt  }
0x6e: {  	_ =	shalt  }
0x6f: {  	_ =	shalt  }
0x70: {  	_ =	shalt  }
0x71: {  	_ =	shalt  }
0x72: {  	_ =	shalt  }
0x73: {  	_ =	shalt  }
0x74: {  	_ =	shalt  }
0x75: {  	_ =	shalt  }
0x76: {  	_ =	shalt  }
0x77: {  	_ =	shalt  }
0x78: {  	_ =	shalt  }
0x79: {  	_ =	shalt  }
0x7a: {  	_ =	shalt  }
0x7b: {  	_ =	shalt  }
0x7c: {  	_ =	shalt  }
0x7d: {  	_ =	shalt  }
0x7e: {  	_ =	shalt  }
0x7f: {  	_ =	shalt  }
0x80: {  	_ =	shalt  }
0x81: {  	_ =	shalt  }
0x82: {  	_ =	shalt  }
0x83: {  	_ =	shalt  }
0x84: {  	_ =	shalt  }
0x85: {  	_ =	shalt  }
0x86: {  	_ =	shalt  }
0x87: {  	_ =	shalt  }
.Lfunc_end0:
.L_simem_size_0:
called_computation_lowered:
.L_overlay_start_0:
0x88: {  	s2 =	sld [smem:$0x3FD9]  }
0x89: {  	s3 =	sld [smem:$0x3FFE];
	_ =	sdelay $0x1  }
0x8a: {  	s1 =	srdreg.scid  }
0x8b: {  	s0 =	sand.u32 $0x1, s1  }
0x8c: {  	s17 =	sshll.u32 s0, $0xA;
	s2 =	sadd.s32 s3, s2  }
0x8d: {  	s2 =	sadd.s32 s2, s17  }
0x8e: {  	[smem:$0x3FBE] =	sst s2  }
0x8f: {  	_ = 	snop  }
0x90: {  	s2 =	sld [smem:$0x3FC9];
	(tm) =	ssettm $0x1  }
0x91: {  	s18 =	sld [smem:$0x3FFB];
	_ =	sdelay $0x3  }
0x92: {  	_ =	strace s18  }
0x93: {  	s3 =	sld [smem:$0x3FFC];
	_ =	sdelay $0x3  }
0x94: {  	_ =	strace s3  }
0x95: {  	s3 =	sld [smem:$0x3FFD];
	_ =	sdelay $0x3  }
0x96: {  	_ =	strace s3  }
0x97: {  	_ =	strace $0x8FFFFFFF  }
0x98: {  	s19 =	sld [smem:$0x3FDB];
	_ =	sdelay $0x1  }
0x99: {  	s4 =	simm.s32 $_scs_section_size  }
0x9a: {  	s5 =	simm.s32 $_size__tile_overlayer_lowered;
	s6 =	simm.s32 $_tile_overlayer_lowered  }
0x9b: {  	s22 =	simm.s32 $0x1BFF;
	s21 =	sshll.u32 s6, $0x1;
	s3 =	sadd.s32 s4, s19  }
0x9c: {  	s7 =	simm.s32 $0x0;
	s20 =	sshll.u32 s5, $0x1;
	s5 =	sadd.s32 s21, s3  }
0x9d: {  	[timem:s7], [sflag:s22] =	dma.local [hbm:s5], s20  }
0x9e: {  	_ =	swait.ge [sflag:s22], s20  }
0x9f: {  	s4 =	ssub.s32 $0x0, s20;
	[sflag:s22] =	ssyncset.done $0x0  }
0xa0: {  	[sflag:s22] =	ssyncadd.s32 s4;
	_ =	sdelay $0x1  }
0xa1: {  	s23 =	simm.s32 $0x1B8B  }
0xa2: {  	_ =	swait.ge [sflag:s23], $0x1  }
0xa3: {  	[sflag:s23] =	ssyncset.done $0x0  }
0xa4: {  	s25 =	simm.s32 $0x1B8E;
	s24 =	sld [smem:$0x3FFE];
	[sflag:s23] =	ssyncadd.s32 $0xFFFFFFFF  }
0xa5: {  	s26 =	simm.s32 $execute0_lowered;
	[smem:$0x3FD2] =	sst s25  }
0xa6: {  	s5 =	sshll.u32 s26, $0x1;
	_ =	strace $0x80000046;
	[dreg:$0x1] =	wrdreg $0xFFFFFFFF  }
0xa7: {  	s28 =	simm.s32 $_size_execute0_lowered;
	s3 =	sadd.s32 s3, s5;
	[dreg:$0x0] =	wrdreg $0x0  }
0xa8: {  	s5 =	sshll.u32 s28, $0x1;
	[dreg:$0x2] =	wrdreg s3  }
0xa9: {  	[dreg:$0x3] =	wrdreg s5  }
0xaa: {  	[dreg:$0x4] =	wrdreg $0xC0  }
0xab: {  	_ =	task [dreg:s7], $0x5FFFF  }
0xac: {  	[dreg:$0x1] =	wrdreg $0xFFFFFFFF  }
0xad: {  	[dreg:$0x0] =	wrdreg $0x60  }
0xae: {  	[dreg:$0x2] =	wrdreg s2  }
0xaf: {  	[dreg:$0x3] =	wrdreg s24  }
0xb0: {  	[dreg:$0x4] =	wrdreg $0x52000  }
0xb1: {  	[dreg:$0x5] =	wrdreg $0x9  }
0xb2: {  	_ =	task.clear_ibuf [dreg:s7], $0x6FFFF;
	_ =	strace $0x90000046  }
0xb3: {  	s29 =	simm.s32 $0x9;
	_ =	strace $0x80000048  }
0xb4: {  	_ =	swait.ge [sflag:s29], $0x1  }
0xb5: {  	[sflag:s29] =	ssyncadd.s32 $0xFFFFFFFF  }
0xb6: {  	_ =	strace $0x90000048  }
0xb7: {  	_ =	sfence  }
0xb8: {  	s30 =	sld [smem:$0x0];
	_ =	sdelay $0x2  }
0xb9: {  	s31 =	sshll.u32 s1, $0xD;
	s1 =	sshrl.u32 s1, $0x2  }
0xba: {  	s3 =	sand.u32 $0x4000, s31;
	s1 =	sadd.s32 s1, s30  }
0xbb: {  	s0 =	sor.u32 s3, s0;
	s1 =	sshll.u32 s1, $0x11  }
0xbc: {  	s0 =	sor.u32 s1, s0  }
0xbd: {  	s0 =	sadd.s32 $0x8F2B, s0  }
0xbe: {  	[sflag:s0] =	ssyncadd.remote.s32 $0x1  }
0xbf: {  	_ =	sfence.sel $0xFFFF  }
0xc0: {  	[dreg:$0x0] =	wrdreg $0xFFFFFFFF;
	(pc) =	sbr.abs _section_cstart, $3  }
0xc1: {  	[dreg:$0x1] =	wrdreg $0xFFFFFFFF  }
0xc2: {  	_ =	task.clear_ibuf [dreg:s7], $0x2FFFF;
	_ =	strace $0x9FFFFFFF  }
0xc3: {  	(tm) =	ssettm $0x7FFFFFFF  }
tec
execute0_lowered:
.L_overlay_start_1:
0x0: {  	(tag) =	ssettag $0x1  }
0x1: {  	s1 =	rddreg [dreg:$0x0]  }
0x2: {  	s0 =	rddreg [dreg:$0x1]  }
0x3: {  	s3 =	rddreg [dreg:$0x2];
	s4 =	simm.s32 $0x0;
	s2 =	stileid.u32  }
0x4: {  	s5 =	srdreg.scid;
	s17 =	simm.s32 $0x3;
	s18 =	simm.s32 $0x100  }
0x5: {  	s19 =	simm.s32 $0x50;
	s20 =	simm.s32 $0x200;
	s21 =	simm.s32 $0x80  }
0x6: {  	s22 =	simm.s32 $0x4;
	s28 =	simm.s32 $0x0;
	s7 =	smul.u32 $0x14000, s2  }
0x7: {  	[smem:$0x7FF] =	sst s4;
	s8 =	sand.u32 $0x1, s5;
	s23 =	smul.u32 $0x50000, s2  }
0x8: {  	s5 =	sadd.s32 $0xB400, s0;
	s6 =	sadd.s32 $0x1600, s0;
	s26 =	smul.u32 $0x2710, s2  }
0x9: {  	s30 =	sshll.u32 s2, $0x6;
	_ =	strace $0x80000047;
	s10 =	smul.u32 $0x140000, s8  }
0xa: {  	s11 =	sshll.u32 s8, $0x4;
	s12 =	ssub.s32 $0x2, s8;
	s13 =	smul.u32 $0x27100, s8  }
0xb: {  	s8 =	sor.u32 $0x1C03, s30;
	s9 =	sshrl.u32 s7, $0x3;
	s11 =	sor.u32 s2, s11  }
0xc: {  	s24 =	sshrl.u32 s12, $0x1;
	s25 =	sshrl.u32 s23, $0x2;
	s23 =	simm.s32 $0x180  }
0xd: {  	s9 =	sadd.s32 s9, s0;
	s7 =	sadd.s32 s7, s10;
	s11 =	smul.u32 $0x2710, s11  }
0xe: {  	s12 =	ssub.s32 s12, s24;
	s16 =	sadd.s32 s25, s3;
	s13 =	sadd.s32 s26, s13  }
0xf: {  	s24 =	simm.s32 $0x2A00;
	s25 =	simm.s32 $0x1;
	s26 =	simm.s32 $0x2  }
0x10: {  	s7 =	sshrl.u32 s7, $0x3;
	s29 =	sadd.s32 $0x15200, s9;
	s14 =	sadd.s32 $0x50, s13  }
0x11: {  	s12 =	smax.u32 s12, $0x1;
	s13 =	sadd.s32 $0xA0, s13;
	s16 =	sshrl.u32 s16, $0x3  }
0x12: {  	s0 =	sadd.s32 s7, s0;
	[dreg:$0x4] =	wrdreg s29;
	s11 =	sshrl.u32 s11, $0x3  }
0x13: {  	s31 =	sshrl.u32 s14, $0x3;
	s9 =	sadd.s32 s5, s11;
	s10 =	sadd.s32 s6, s11  }
0x14: {  	s11 =	sadd.s32 $0x3D200, s0;
	s14 =	sadd.s32 s31, s6;
	s15 =	sadd.s32 s31, s5  }
.LBB2_1:
0x15: {  	s0 =	rddreg [dreg:$0x4]  }
0x16: {  	[spmem:s16], [sflag:s8] =	dma.local [hbm:s0], $0x2800  }
0x17: {  	_ =	swait.ge [sflag:s17], $0x2800  }
0x18: {  	[sflag:s17] =	ssyncset.done $0x0  }
0x19: {  	[sflag:s17] =	ssyncadd.s32 $0xFFFFD800  }
0x1a: {  	[bflag:$0x0] =	sbarrier.arrive $0xFFFF  }
0x1b: {  	[tilespmem:s4], [sflag:$0x3] =	stream.linear.gather [hbm4b:s9+s4], $0x50, $0x38;
	[tilespmem:$0x19200] =	vst v63  }
0x1c: {  	_ =	swait.ge [sflag:s17], $0x50  }
0x1d: {  	[sflag:s17] =	ssyncset.done $0x0  }
0x1e: {  	[sflag:s17] =	ssyncadd.s32 $0xFFFFFFB0  }
0x1f: {  	[tilespmem:s18], [sflag:$0x3] =	stream.linear.gather [hbm4b:s10+s4], $0x50, $0x38;
	[tilespmem:$0x19200] =	vst v63  }
0x20: {  	_ =	swait.ge [sflag:s17], $0x50  }
0x21: {  	[sflag:s17] =	ssyncset.done $0x0  }
0x22: {  	[sflag:s17] =	ssyncadd.s32 $0xFFFFFFB0  }
0x23: {  	[tilespmem:s20], [sflag:$0x1] =	stream.indirect.gather [hbm4b:s1+s19], $0x80, s4, s19, $0xb8;
	[tilespmem:$0x19200] =	vst v63  }
0x24: {  	s7 =	sadd.s32 $0x0, s15  }
0x25: {  	[tilespmem:s21], [sflag:$0x4] =	stream.linear.gather [hbm4b:s7+s4], $0x50, $0x38;
	[tilespmem:$0x19200] =	vst v63  }
0x26: {  	_ =	swait.ge [sflag:s22], $0x50  }
0x27: {  	[sflag:s22] =	ssyncset.done $0x0  }
0x28: {  	s2 =	sadd.s32 $0x0, s14;
	[sflag:s22] =	ssyncadd.s32 $0xFFFFFFB0  }
0x29: {  	[tilespmem:s23], [sflag:$0x4] =	stream.linear.gather [hbm4b:s2+s4], $0x50, $0x38;
	[tilespmem:$0x19200] =	vst v63  }
0x2a: {  	_ =	swait.ge [sflag:s22], $0x50  }
0x2b: {  	[sflag:s22] =	ssyncset.done $0x0  }
0x2c: {  	[sflag:s22] =	ssyncadd.s32 $0xFFFFFFB0  }
0x2d: {  	[tilespmem:s24], [sflag:$0x2] =	stream.indirect.gather [hbm4b:s1+s19], $0x80, s21, s19, $0xb8;
	[tilespmem:$0x19200] =	vst v63  }
0x2e: {  	_ =	swait.ge [sflag:s25], $0x2800  }
0x2f: {  	[sflag:s25] =	ssyncset.done $0x0  }
0x30: {  	[sflag:s25] =	ssyncadd.s32 $0xFFFFD800  }
0x31: {  	[spmem:s3] =	stream.indirect.scatter.add.f32 [tilespmem:s20], [sflag:$0x4], $0x80, s18, s19, $0xb8;
	[tilespmem:$0x19200] =	vst v63  }
0x32: {  	_ =	swait.ge [sflag:s22], $0x2800  }
0x33: {  	s7 =	sshrl.u32 s13, $0x3;
	[sflag:s22] =	ssyncset.done $0x0  }
0x34: {  	s29 =	sadd.s32 s5, s7;
	[sflag:s22] =	ssyncadd.s32 $0xFFFFD800  }
0x35: {  	[tilespmem:s4], [sflag:$0x4] =	stream.linear.gather [hbm4b:s29+s4], $0x50, $0x38;
	[tilespmem:$0x19200] =	vst v63  }
0x36: {  	_ =	swait.ge [sflag:s22], $0x50  }
0x37: {  	[sflag:s22] =	ssyncset.done $0x0  }
0x38: {  	s0 =	sadd.s32 s6, s7;
	[sflag:s22] =	ssyncadd.s32 $0xFFFFFFB0  }
0x39: {  	[tilespmem:s18], [sflag:$0x4] =	stream.linear.gather [hbm4b:s0+s4], $0x50, $0x38;
	[tilespmem:$0x19200] =	vst v63  }
0x3a: {  	_ =	swait.ge [sflag:s22], $0x50  }
0x3b: {  	[sflag:s22] =	ssyncset.done $0x0  }
0x3c: {  	[sflag:s22] =	ssyncadd.s32 $0xFFFFFFB0  }
0x3d: {  	[tilespmem:s20], [sflag:$0x1] =	stream.indirect.gather [hbm4b:s1+s19], $0x80, s4, s19, $0xb8;
	[tilespmem:$0x19200] =	vst v63  }
0x3e: {  	_ =	swait.ge [sflag:s26], $0x2800  }
0x3f: {  	[sflag:s26] =	ssyncset.done $0x0  }
0x40: {  	[sflag:s26] =	ssyncadd.s32 $0xFFFFD800  }
0x41: {  	[spmem:s3] =	stream.indirect.scatter.add.f32 [tilespmem:s24], [sflag:$0x3], $0x80, s23, s19, $0xb8;
	[tilespmem:$0x19200] =	vst v63  }
0x42: {  	s30 =	simm.s32 $0x14;
	_ =	swait.ge [sflag:s17], $0x2800  }
0x43: {  	s31 =	simm.s32 $0x28;
	s29 =	sadd.s32 $0xA0, s13;
	[sflag:s17] =	ssyncset.done $0x0  }
.LBB2_2:
0x44: {  	s2 =	sadd.s32 s30, s15  }
0x45: {  	[sflag:s17] =	ssyncadd.s32 $0xFFFFD800;
	s7 =	smov.u32 s31;
	s0 =	sadd.s32 $0x14, s31  }
0x46: {  	[tilespmem:s21], [sflag:$0x4] =	stream.linear.gather [hbm4b:s2+s4], $0x50, $0x38;
	[tilespmem:$0x19200] =	vst v63  }
0x47: {  	p0 =	sne.s32 s31, $0x4C4;
	_ =	swait.ge [sflag:s22], $0x50  }
0x48: {  	[sflag:s22] =	ssyncset.done $0x0  }
0x49: {  	s2 =	sadd.s32 s30, s14;
	s30 =	smov.u32 s7;
	[sflag:s22] =	ssyncadd.s32 $0xFFFFFFB0  }
0x4a: {  	[tilespmem:s23], [sflag:$0x4] =	stream.linear.gather [hbm4b:s2+s4], $0x50, $0x38;
	[tilespmem:$0x19200] =	vst v63  }
0x4b: {  	_ =	swait.ge [sflag:s22], $0x50  }
0x4c: {  	[sflag:s22] =	ssyncset.done $0x0  }
0x4d: {  	[sflag:s22] =	ssyncadd.s32 $0xFFFFFFB0  }
0x4e: {  	[tilespmem:s24], [sflag:$0x2] =	stream.indirect.gather [hbm4b:s1+s19], $0x80, s21, s19, $0xb8;
	[tilespmem:$0x19200] =	vst v63  }
0x4f: {  	_ =	swait.ge [sflag:s25], $0x2800  }
0x50: {  	[sflag:s25] =	ssyncset.done $0x0  }
0x51: {  	[sflag:s25] =	ssyncadd.s32 $0xFFFFD800  }
0x52: {  	[spmem:s3] =	stream.indirect.scatter.add.f32 [tilespmem:s20], [sflag:$0x4], $0x80, s18, s19, $0xb8;
	[tilespmem:$0x19200] =	vst v63  }
0x53: {  	_ =	swait.ge [sflag:s22], $0x2800  }
0x54: {  	s2 =	sshrl.u32 s29, $0x3;
	[sflag:s22] =	ssyncset.done $0x0  }
0x55: {  	s7 =	sadd.s32 s5, s2;
	[sflag:s22] =	ssyncadd.s32 $0xFFFFD800  }
0x56: {  	[tilespmem:s4], [sflag:$0x4] =	stream.linear.gather [hbm4b:s7+s4], $0x50, $0x38;
	[tilespmem:$0x19200] =	vst v63  }
0x57: {  	_ =	swait.ge [sflag:s22], $0x50  }
0x58: {  	[sflag:s22] =	ssyncset.done $0x0  }
0x59: {  	s2 =	sadd.s32 s6, s2;
	[sflag:s22] =	ssyncadd.s32 $0xFFFFFFB0  }
0x5a: {  	[tilespmem:s18], [sflag:$0x4] =	stream.linear.gather [hbm4b:s2+s4], $0x50, $0x38;
	[tilespmem:$0x19200] =	vst v63  }
0x5b: {  	_ =	swait.ge [sflag:s22], $0x50  }
0x5c: {  	[sflag:s22] =	ssyncset.done $0x0  }
0x5d: {  	[sflag:s22] =	ssyncadd.s32 $0xFFFFFFB0  }
0x5e: {  	[tilespmem:s20], [sflag:$0x1] =	stream.indirect.gather [hbm4b:s1+s19], $0x80, s4, s19, $0xb8;
	[tilespmem:$0x19200] =	vst v63  }
0x5f: {  	_ =	swait.ge [sflag:s26], $0x2800  }
.Ltmp0:
0x60: {  	[sflag:s26] =	ssyncset.done $0x0;
	(pc) =	sbr.rel @p0 .LBB2_2-.Ltmp0, $4  }
0x61: {  	[sflag:s26] =	ssyncadd.s32 $0xFFFFD800  }
0x62: {  	[spmem:s3] =	stream.indirect.scatter.add.f32 [tilespmem:s24], [sflag:$0x3], $0x80, s23, s19, $0xb8;
	[tilespmem:$0x19200] =	vst v63  }
0x63: {  	_ =	swait.ge [sflag:s17], $0x2800  }
0x64: {  	s31 =	smov.u32 s0;
	s29 =	sadd.s32 $0xA0, s29;
	[sflag:s17] =	ssyncset.done $0x0  }
0x65: {  	s0 =	sadd.s32 s30, s15;
	[sflag:s17] =	ssyncadd.s32 $0xFFFFD800  }
0x66: {  	[tilespmem:s21], [sflag:$0x4] =	stream.linear.gather [hbm4b:s0+s4], $0x50, $0x38;
	[tilespmem:$0x19200] =	vst v63  }
0x67: {  	_ =	swait.ge [sflag:s22], $0x50  }
0x68: {  	[sflag:s22] =	ssyncset.done $0x0  }
0x69: {  	s30 =	sadd.s32 s30, s14;
	[sflag:s22] =	ssyncadd.s32 $0xFFFFFFB0  }
0x6a: {  	[tilespmem:s23], [sflag:$0x4] =	stream.linear.gather [hbm4b:s30+s4], $0x50, $0x38;
	[tilespmem:$0x19200] =	vst v63  }
0x6b: {  	_ =	swait.ge [sflag:s22], $0x50  }
0x6c: {  	[sflag:s22] =	ssyncset.done $0x0  }
0x6d: {  	[sflag:s22] =	ssyncadd.s32 $0xFFFFFFB0  }
0x6e: {  	[tilespmem:s24], [sflag:$0x2] =	stream.indirect.gather [hbm4b:s1+s19], $0x80, s21, s19, $0xb8;
	[tilespmem:$0x19200] =	vst v63  }
0x6f: {  	_ =	swait.ge [sflag:s25], $0x2800  }
0x70: {  	[sflag:s25] =	ssyncset.done $0x0  }
0x71: {  	[sflag:s25] =	ssyncadd.s32 $0xFFFFD800  }
0x72: {  	[spmem:s3] =	stream.indirect.scatter.add.f32 [tilespmem:s20], [sflag:$0x4], $0x80, s18, s19, $0xb8;
	[tilespmem:$0x19200] =	vst v63  }
0x73: {  	_ =	swait.ge [sflag:s22], $0x2800  }
0x74: {  	s31 =	sshrl.u32 s29, $0x3;
	[sflag:s22] =	ssyncset.done $0x0  }
0x75: {  	s2 =	sadd.s32 s5, s31;
	[sflag:s22] =	ssyncadd.s32 $0xFFFFD800  }
0x76: {  	[tilespmem:s4], [sflag:$0x4] =	stream.linear.gather [hbm4b:s2+s4], $0x50, $0x38;
	[tilespmem:$0x19200] =	vst v63  }
0x77: {  	_ =	swait.ge [sflag:s22], $0x50  }
0x78: {  	[sflag:s22] =	ssyncset.done $0x0  }
0x79: {  	s0 =	sadd.s32 s6, s31;
	[sflag:s22] =	ssyncadd.s32 $0xFFFFFFB0  }
0x7a: {  	[tilespmem:s18], [sflag:$0x4] =	stream.linear.gather [hbm4b:s0+s4], $0x50, $0x38;
	[tilespmem:$0x19200] =	vst v63  }
0x7b: {  	_ =	swait.ge [sflag:s22], $0x50  }
0x7c: {  	[sflag:s22] =	ssyncset.done $0x0  }
0x7d: {  	[sflag:s22] =	ssyncadd.s32 $0xFFFFFFB0  }
0x7e: {  	[tilespmem:s20], [sflag:$0x1] =	stream.indirect.gather [hbm4b:s1+s19], $0x80, s4, s19, $0xb8;
	[tilespmem:$0x19200] =	vst v63  }
0x7f: {  	_ =	swait.ge [sflag:s26], $0x2800  }
0x80: {  	[sflag:s26] =	ssyncset.done $0x0  }
0x81: {  	[sflag:s26] =	ssyncadd.s32 $0xFFFFD800  }
0x82: {  	[spmem:s3] =	stream.indirect.scatter.add.f32 [tilespmem:s24], [sflag:$0x3], $0x80, s23, s19, $0xb8;
	[tilespmem:$0x19200] =	vst v63  }
0x83: {  	_ =	swait.ge [sflag:s17], $0x2800  }
0x84: {  	[sflag:s17] =	ssyncset.done $0x0  }
0x85: {  	[sflag:s17] =	ssyncadd.s32 $0xFFFFD800  }
0x86: {  	_ =	swait.ge [sflag:s25], $0x2800  }
0x87: {  	[sflag:s25] =	ssyncset.done $0x0  }
0x88: {  	[sflag:s25] =	ssyncadd.s32 $0xFFFFD800  }
0x89: {  	[spmem:s3] =	stream.indirect.scatter.add.f32 [tilespmem:s20], [sflag:$0x4], $0x80, s18, s19, $0xb8;
	[tilespmem:$0x19200] =	vst v63  }
0x8a: {  	_ =	swait.ge [sflag:s22], $0x2800  }
0x8b: {  	s28 =	sadd.s32 $0x1, s28;
	[sflag:s22] =	ssyncset.done $0x0  }
0x8c: {  	p0 =	sne.s32 s28, s12;
	[sflag:s22] =	ssyncadd.s32 $0xFFFFD800  }
.Ltmp1:
0x8d: {  	[bflag:$0x0] =	sbarrier.arrive $0xFFFF;
	(pc) =	sbr.rel @p0 .LBB2_1-.Ltmp1, $4  }
0x8e: {  	[hbm:s11], [sflag:s8] =	dma.local [spmem:s16], $0x2800  }
0x8f: {  	_ =	swait.ge [sflag:s17], $0x2800  }
0x90: {  	[sflag:s17] =	ssyncset.done $0x0  }
0x91: {  	[sflag:s17] =	ssyncadd.s32 $0xFFFFD800  }
0x92: {  	_ =	sfence.sel $0x180000  }
0x93: {  	[bflag:$0x0] =	sbarrier.arrive $0xFFFF  }
0x94: {  	_ =	strace $0x90000047  }
0x95: {  	s0 =	stileid.u32;
	[bflag:$0x2] =	sbarrier.arrive $0xFFFF  }
0x96: {  	p0 =	sne.s32 s0, $0x0;
	s0 =	rddreg [dreg:$0x3]  }
0x97: {  	s0 =	sadd.s32 @!p0 $0x100000, s0  }
0x98: {  	[sflag:s0] =	ssyncadd.tile.s32 @!p0 $0x1;
	_ =	shalt  }
.Lfunc_end2:
_tile_overlayer_lowered:
.L_overlay_start_2:
0x99: {  	(tag) =	ssettag $0x2  }
0x9a: {  	s0 =	rddreg [dreg:$0x0];
	s2 =	stileid.u32  }
0x9b: {  	s1 =	rddreg [dreg:$0x1];
	p0 =	sne.s32 s2, $0x0  }
0x9c: {  	s3 =	rddreg [dreg:$0x2];
	[bflag:$0x3] =	sbarrier.arrive $0xFFFF;
	s2 =	simm.s32 @!p0 $0x1C03  }
0x9d: {  	[timem:s3], [sflag:s2] =	dma.local @!p0 [hbm:s0], s1  }
0x9e: {  	s0 =	simm.s32 @!p0 $0x3  }
0x9f: {  	_ =	swait.ge @!p0 [sflag:s0], s1  }
0xa0: {  	s1 =	ssub.s32 @!p0 $0x0, s1;
	[sflag:s0] =	ssyncset.done @!p0 $0x0  }
0xa1: {  	[sflag:s0] =	ssyncadd.s32 @!p0 s1  }
0xa2: {  	[bflag:$0x3] =	sbarrier.arrive $0xFFFF  }
0xa3: {  	_ =	shalt  }

// kernel: kernel.7.cloned.1.call-start
scs
__scs_entry_jumppad:
0x0: {  	(pc) =	sbr.rel $0x88, $3  }
0x1: {  	(tag) =	ssettag $0x0;
	lr =	simm.s32 $0x1  }
0x2: {  	[smem:$0x3F97] =	sst lr;
	_ =	strace $0xD0000000  }
0x3: {  	_ = 	snop  }
0x4: {  	_ = 	snop  }
0x5: {  	_ = 	snop  }
0x6: {  	_ = 	snop  }
0x7: {  	_ = 	snop  }
__scs_overlays_trampoline_lowered:
0x8: {  	[smem:$0x3FA6] =	sst s0  }
0x9: {  	[smem:$0x3FA7] =	sst s1  }
0xa: {  	[smem:$0x3FA8] =	sst s2  }
0xb: {  	[smem:$0x3FA9] =	sst s3  }
0xc: {  	[smem:$0x3FAA] =	sst s4  }
0xd: {  	[smem:$0x3FAB] =	sst s5  }
0xe: {  	[smem:$0x3FAC] =	sst s6  }
0xf: {  	[smem:$0x3FAD] =	sst s7  }
0x10: {  	[smem:$0x3FAE] =	sst s8  }
0x11: {  	[smem:$0x3FAF] =	sst s9;
	s0 =	simm.s32 @!p0 $0x0  }
0x12: {  	s1 =	sld [smem:$0x3F95];
	s0 =	simm.s32 @p0 $0x1  }
0x13: {  	[smem:$0x3FB0] =	sst s0;
	s0 =	simm.s32 @!p1 $0x0  }
0x14: {  	s2 =	sld [smem:$0x3F94];
	s0 =	simm.s32 @p1 $0x1  }
0x15: {  	[smem:$0x3FB1] =	sst s0;
	s0 =	simm.s32 @!p2 $0x0  }
0x16: {  	s3 =	sld [smem:$0x3FDB];
	s0 =	simm.s32 @p2 $0x1  }
0x17: {  	s4 =	simm.s32 $0x1BF5;
	[smem:$0x3FB3] =	sst s0  }
0x18: {  	s0 =	sld [smem:$0x3F96];
	_ =	swait.ge [sflag:s4], $0x0  }
0x19: {  	s7 =	sld [smem:$0x3F97]  }
0x1a: {  	s8 =	sadd.s32 $0xFFFFE003, lr  }
0x1b: {  	s9 =	sadd.s32 $0xFFFFFEF7, lr;
	s5 =	simm.s32 $0xFFFFFFFF;
	p2 =	slt.u32 s8, $0xFFFFF086  }
0x1c: {  	p1 =	slt.u32 s9, $0xF7A;
	s5 =	simm.s32 @!p2 $0x0  }
0x1d: {  	s5 =	simm.s32 @p1 $0x1;
	p0 =	seq.s32 s7, s2  }
0x1e: {  	s7 =	smul.u32 @!p0 $0xF7A, s2;
	p2 =	seq.s32 @!p0 s5, $0x0  }
0x1f: {  	s9 =	smul.u32 $0xF7A, s1;
	s8 =	simm.s32 @!p0 $0x1BF5;
	p2 =	por !p2, p0  }
0x20: {  	[sflag:s8] =	ssyncset.s32 @!p0 $0xFFFFF086;
	s6 =	sadd.s32 @!p0 s3, s7;
	s7 =	simm.s32 @!p0 $0x108  }
0x21: {  	s3 =	sadd.s32 s3, s9;
	s6 =	sadd.s32 @!p0 $0x88, s6;
	s7 =	simm.s32 @p2 $0x1082  }
0x22: {  	[simem:s7], [sflag:s8] =	dma.local @!p0 [hbm:s6], $0xF7A  }
0x23: {  	s9 =	sor.u32 $0xD0000000, s2;
	s6 =	simm.s32 $0x108;
	_ =	swait.ge @!p0 [sflag:s8], $0x0  }
0x24: {  	s3 =	sadd.s32 $0x88, s3;
	s6 =	simm.s32 @!p1 $0x1082;
	[sflag:s4] =	ssyncset.s32 $0xFFFFF086  }
0x25: {  	[simem:s6], [sflag:s4] =	dma.local [hbm:s3], $0xF7A  }
0x26: {  	[smem:$0x3F97] =	sst s1;
	(tag) =	ssettag s2;
	_ =	strace s9  }
0x27: {  	s1 =	sld [smem:$0x3FA7]  }
0x28: {  	s2 =	sld [smem:$0x3FA8]  }
0x29: {  	s4 =	sld [smem:$0x3FAA]  }
0x2a: {  	p0 =	seq.s32 s5, $0x0;
	s5 =	sld [smem:$0x3FAB]  }
0x2b: {  	s6 =	sld [smem:$0x3FAC]  }
0x2c: {  	s7 =	sld [smem:$0x3FAD]  }
0x2d: {  	s3 =	simm.s32 $0x108;
	s8 =	sld [smem:$0x3FAE]  }
0x2e: {  	s3 =	simm.s32 @!p0 $0x1082;
	s9 =	sld [smem:$0x3FAF]  }
0x2f: {  	lr =	sadd.s32 s0, s3;
	s0 =	sld [smem:$0x3FA6]  }
0x30: {  	s3 =	sld [smem:$0x3FA9]  }
0x31: {  	[smem:$0x3FB2] =	sst s10  }
0x32: {  	s10 =	sld [smem:$0x3FB0];
	_ =	sdelay $0x3  }
0x33: {  	p0 =	seq.s32 s10, $0x1;
	s10 =	sld [smem:$0x3FB2];
	_ =	sdelay $0x3  }
0x34: {  	[smem:$0x3FB2] =	sst s10  }
0x35: {  	s10 =	sld [smem:$0x3FB1];
	_ =	sdelay $0x3  }
0x36: {  	p1 =	seq.s32 s10, $0x1;
	s10 =	sld [smem:$0x3FB2];
	_ =	sdelay $0x3  }
0x37: {  	[smem:$0x3FB2] =	sst s10  }
0x38: {  	s10 =	sld [smem:$0x3FB3]  }
0x39: {  	_ = 	snop;
	(pc) =	sbr.ind lr, $3  }
0x3a: {  	_ = 	snop  }
0x3b: {  	_ = 	snop  }
0x3c: {  	p2 =	seq.s32 s10, $0x1;
	s10 =	sld [smem:$0x3FB2]  }
0x3d: {  	_ =	shalt  }
0x3e: {  	_ =	shalt  }
0x3f: {  	_ =	shalt  }
0x40: {  	_ =	shalt  }
0x41: {  	_ =	shalt  }
0x42: {  	_ =	shalt  }
0x43: {  	_ =	shalt  }
0x44: {  	_ =	shalt  }
0x45: {  	_ =	shalt  }
0x46: {  	_ =	shalt  }
0x47: {  	_ =	shalt  }
0x48: {  	_ =	shalt  }
0x49: {  	_ =	shalt  }
0x4a: {  	_ =	shalt  }
0x4b: {  	_ =	shalt  }
0x4c: {  	_ =	shalt  }
0x4d: {  	_ =	shalt  }
0x4e: {  	_ =	shalt  }
0x4f: {  	_ =	shalt  }
0x50: {  	_ =	shalt  }
0x51: {  	_ =	shalt  }
0x52: {  	_ =	shalt  }
0x53: {  	_ =	shalt  }
0x54: {  	_ =	shalt  }
0x55: {  	_ =	shalt  }
0x56: {  	_ =	shalt  }
0x57: {  	_ =	shalt  }
0x58: {  	_ =	shalt  }
0x59: {  	_ =	shalt  }
0x5a: {  	_ =	shalt  }
0x5b: {  	_ =	shalt  }
0x5c: {  	_ =	shalt  }
0x5d: {  	_ =	shalt  }
0x5e: {  	_ =	shalt  }
0x5f: {  	_ =	shalt  }
0x60: {  	_ =	shalt  }
0x61: {  	_ =	shalt  }
0x62: {  	_ =	shalt  }
0x63: {  	_ =	shalt  }
0x64: {  	_ =	shalt  }
0x65: {  	_ =	shalt  }
0x66: {  	_ =	shalt  }
0x67: {  	_ =	shalt  }
0x68: {  	_ =	shalt  }
0x69: {  	_ =	shalt  }
0x6a: {  	_ =	shalt  }
0x6b: {  	_ =	shalt  }
0x6c: {  	_ =	shalt  }
0x6d: {  	_ =	shalt  }
0x6e: {  	_ =	shalt  }
0x6f: {  	_ =	shalt  }
0x70: {  	_ =	shalt  }
0x71: {  	_ =	shalt  }
0x72: {  	_ =	shalt  }
0x73: {  	_ =	shalt  }
0x74: {  	_ =	shalt  }
0x75: {  	_ =	shalt  }
0x76: {  	_ =	shalt  }
0x77: {  	_ =	shalt  }
0x78: {  	_ =	shalt  }
0x79: {  	_ =	shalt  }
0x7a: {  	_ =	shalt  }
0x7b: {  	_ =	shalt  }
0x7c: {  	_ =	shalt  }
0x7d: {  	_ =	shalt  }
0x7e: {  	_ =	shalt  }
0x7f: {  	_ =	shalt  }
0x80: {  	_ =	shalt  }
0x81: {  	_ =	shalt  }
0x82: {  	_ =	shalt  }
0x83: {  	_ =	shalt  }
0x84: {  	_ =	shalt  }
0x85: {  	_ =	shalt  }
0x86: {  	_ =	shalt  }
0x87: {  	_ =	shalt  }
.Lfunc_end0:
.L_simem_size_0:
called_computation.1_lowered:
.L_overlay_start_0:
0x88: {  	s2 =	sld [smem:$0x3FD9]  }
0x89: {  	s3 =	sld [smem:$0x3FFE];
	_ =	sdelay $0x1  }
0x8a: {  	s1 =	srdreg.scid  }
0x8b: {  	s0 =	sand.u32 $0x1, s1  }
0x8c: {  	s16 =	sshll.u32 s0, $0xA;
	s2 =	sadd.s32 s3, s2  }
0x8d: {  	s2 =	sadd.s32 s2, s16  }
0x8e: {  	[smem:$0x3FBE] =	sst s2  }
0x8f: {  	_ = 	snop  }
0x90: {  	(tm) =	ssettm $0x1  }
0x91: {  	s17 =	sld [smem:$0x3FFB];
	_ =	sdelay $0x3  }
0x92: {  	_ =	strace s17  }
0x93: {  	s2 =	sld [smem:$0x3FFC];
	_ =	sdelay $0x3  }
0x94: {  	_ =	strace s2  }
0x95: {  	s2 =	sld [smem:$0x3FFD];
	_ =	sdelay $0x3  }
0x96: {  	_ =	strace s2  }
0x97: {  	_ =	strace $0x8FFFFFFF  }
0x98: {  	s18 =	sld [smem:$0x3FDB];
	_ =	sdelay $0x1  }
0x99: {  	s19 =	simm.s32 $_scs_section_size  }
0x9a: {  	s4 =	simm.s32 $_size__tile_overlayer_lowered;
	s5 =	simm.s32 $_tile_overlayer_lowered  }
0x9b: {  	s22 =	simm.s32 $0x1BFF;
	s21 =	sshll.u32 s5, $0x1;
	s2 =	sadd.s32 s19, s18  }
0x9c: {  	s6 =	simm.s32 $0x0;
	s20 =	sshll.u32 s4, $0x1;
	s4 =	sadd.s32 s21, s2  }
0x9d: {  	[timem:s6], [sflag:s22] =	dma.local [hbm:s4], s20  }
0x9e: {  	_ =	swait.ge [sflag:s22], s20  }
0x9f: {  	s3 =	ssub.s32 $0x0, s20;
	[sflag:s22] =	ssyncset.done $0x0  }
0xa0: {  	[sflag:s22] =	ssyncadd.s32 s3;
	_ =	sdelay $0x1  }
0xa1: {  	s23 =	simm.s32 $0x1B8B  }
0xa2: {  	_ =	swait.ge [sflag:s23], $0x1  }
0xa3: {  	[sflag:s23] =	ssyncset.done $0x0  }
0xa4: {  	s25 =	simm.s32 $0x1B8E;
	s24 =	sld [smem:$0x3FFE];
	[sflag:s23] =	ssyncadd.s32 $0xFFFFFFFF  }
0xa5: {  	s26 =	simm.s32 $execute0_lowered;
	[smem:$0x3FD2] =	sst s25  }
0xa6: {  	s4 =	sshll.u32 s26, $0x1;
	_ =	strace $0x80000049;
	[dreg:$0x1] =	wrdreg $0xFFFFFFFF  }
0xa7: {  	s28 =	simm.s32 $_size_execute0_lowered;
	s2 =	sadd.s32 s2, s4;
	[dreg:$0x0] =	wrdreg $0x0  }
0xa8: {  	s4 =	sshll.u32 s28, $0x1;
	[dreg:$0x2] =	wrdreg s2  }
0xa9: {  	[dreg:$0x3] =	wrdreg s4  }
0xaa: {  	[dreg:$0x4] =	wrdreg $0xC0  }
0xab: {  	_ =	task [dreg:s6], $0x5FFFF  }
0xac: {  	[dreg:$0x1] =	wrdreg $0xFFFFFFFF  }
0xad: {  	[dreg:$0x0] =	wrdreg $0x60  }
0xae: {  	[dreg:$0x2] =	wrdreg s24  }
0xaf: {  	[dreg:$0x3] =	wrdreg $0x52000  }
0xb0: {  	[dreg:$0x4] =	wrdreg $0x9  }
0xb1: {  	_ =	task.clear_ibuf [dreg:s6], $0x5FFFF;
	_ =	strace $0x90000049  }
0xb2: {  	s29 =	simm.s32 $0x9;
	_ =	strace $0x8000004B  }
0xb3: {  	_ =	swait.ge [sflag:s29], $0x1  }
0xb4: {  	[sflag:s29] =	ssyncadd.s32 $0xFFFFFFFF  }
0xb5: {  	_ =	strace $0x9000004B  }
0xb6: {  	_ =	sfence  }
0xb7: {  	s30 =	sld [smem:$0x0];
	_ =	sdelay $0x2  }
0xb8: {  	s31 =	sshll.u32 s1, $0xD;
	s1 =	sshrl.u32 s1, $0x2  }
0xb9: {  	s3 =	sand.u32 $0x4000, s31;
	s1 =	sadd.s32 s1, s30  }
0xba: {  	s0 =	sor.u32 s3, s0;
	s1 =	sshll.u32 s1, $0x11  }
0xbb: {  	s0 =	sor.u32 s1, s0  }
0xbc: {  	s0 =	sadd.s32 $0x8F2B, s0  }
0xbd: {  	[sflag:s0] =	ssyncadd.remote.s32 $0x1  }
0xbe: {  	_ =	sfence.sel $0xFFFF  }
0xbf: {  	[dreg:$0x0] =	wrdreg $0xFFFFFFFF;
	(pc) =	sbr.abs _section_cstart, $3  }
0xc0: {  	[dreg:$0x1] =	wrdreg $0xFFFFFFFF  }
0xc1: {  	_ =	task.clear_ibuf [dreg:s6], $0x2FFFF;
	_ =	strace $0x9FFFFFFF  }
0xc2: {  	(tm) =	ssettm $0x7FFFFFFF  }
0xc3: {  	_ =	shalt  }
tec
execute0_lowered:
.L_overlay_start_1:
0x0: {  	(tag) =	ssettag $0x1  }
0x1: {  	s0 =	rddreg [dreg:$0x0]  }
0x2: {  	s2 =	rddreg [dreg:$0x1]  }
0x3: {  	s3 =	simm.s32 $0x0;
	s1 =	stileid.u32;
	s5 =	srdreg.scid  }
0x4: {  	s17 =	simm.s32 $0x3;
	s18 =	simm.s32 $0x100;
	s19 =	simm.s32 $0x50  }
0x5: {  	s20 =	simm.s32 $0x200;
	s21 =	simm.s32 $0x80;
	s22 =	simm.s32 $0x4  }
0x6: {  	s28 =	simm.s32 $0x0;
	[smem:$0x7FF] =	sst s3;
	s7 =	smul.u32 $0x14000, s1  }
0x7: {  	s4 =	sadd.s32 $0x3D200, s0;
	s8 =	sand.u32 $0x1, s5;
	s23 =	smul.u32 $0x50000, s1  }
0x8: {  	s5 =	sadd.s32 $0xB400, s0;
	s6 =	sadd.s32 $0x1600, s0;
	s26 =	smul.u32 $0x2710, s1  }
0x9: {  	s30 =	sshll.u32 s1, $0x6;
	_ =	strace $0x8000004A;
	s10 =	smul.u32 $0x140000, s8  }
0xa: {  	s11 =	sshll.u32 s8, $0x4;
	s12 =	ssub.s32 $0x2, s8;
	s13 =	smul.u32 $0x27100, s8  }
0xb: {  	s8 =	sor.u32 $0x1C03, s30;
	s9 =	sshrl.u32 s7, $0x3;
	s11 =	sor.u32 s1, s11  }
0xc: {  	s24 =	sshrl.u32 s12, $0x1;
	s25 =	sshrl.u32 s23, $0x2;
	s23 =	simm.s32 $0x180  }
0xd: {  	s9 =	sadd.s32 s9, s0;
	s7 =	sadd.s32 s7, s10;
	s11 =	smul.u32 $0x2710, s11  }
0xe: {  	s12 =	ssub.s32 s12, s24;
	s16 =	sadd.s32 s25, s2;
	s13 =	sadd.s32 s26, s13  }
0xf: {  	s24 =	simm.s32 $0x2A00;
	s25 =	simm.s32 $0x1;
	s26 =	simm.s32 $0x2  }
0x10: {  	s7 =	sshrl.u32 s7, $0x3;
	s29 =	sadd.s32 $0x15200, s9;
	s14 =	sadd.s32 $0x50, s13  }
0x11: {  	s12 =	smax.u32 s12, $0x1;
	s13 =	sadd.s32 $0xA0, s13;
	s16 =	sshrl.u32 s16, $0x3  }
0x12: {  	s0 =	sadd.s32 s7, s0;
	[dreg:$0x3] =	wrdreg s29;
	s11 =	sshrl.u32 s11, $0x3  }
0x13: {  	s31 =	sshrl.u32 s14, $0x3;
	s9 =	sadd.s32 s5, s11;
	s10 =	sadd.s32 s6, s11  }
0x14: {  	s11 =	sadd.s32 $0x64400, s0;
	s14 =	sadd.s32 s31, s6;
	s15 =	sadd.s32 s31, s5  }
.LBB2_1:
0x15: {  	s0 =	rddreg [dreg:$0x3]  }
0x16: {  	[spmem:s16], [sflag:s8] =	dma.local [hbm:s0], $0x2800  }
0x17: {  	_ =	swait.ge [sflag:s17], $0x2800  }
0x18: {  	[sflag:s17] =	ssyncset.done $0x0  }
0x19: {  	[sflag:s17] =	ssyncadd.s32 $0xFFFFD800  }
0x1a: {  	[bflag:$0x0] =	sbarrier.arrive $0xFFFF  }
0x1b: {  	[tilespmem:s3], [sflag:$0x3] =	stream.linear.gather [hbm4b:s9+s3], $0x50, $0x38;
	[tilespmem:$0x19200] =	vst v63  }
0x1c: {  	_ =	swait.ge [sflag:s17], $0x50  }
0x1d: {  	[sflag:s17] =	ssyncset.done $0x0  }
0x1e: {  	[sflag:s17] =	ssyncadd.s32 $0xFFFFFFB0  }
0x1f: {  	[tilespmem:s18], [sflag:$0x3] =	stream.linear.gather [hbm4b:s10+s3], $0x50, $0x38;
	[tilespmem:$0x19200] =	vst v63  }
0x20: {  	_ =	swait.ge [sflag:s17], $0x50  }
0x21: {  	[sflag:s17] =	ssyncset.done $0x0  }
0x22: {  	[sflag:s17] =	ssyncadd.s32 $0xFFFFFFB0  }
0x23: {  	[tilespmem:s20], [sflag:$0x1] =	stream.indirect.gather [hbm4b:s4+s19], $0x80, s3, s19, $0xb8;
	[tilespmem:$0x19200] =	vst v63  }
0x24: {  	s7 =	sadd.s32 $0x0, s15  }
0x25: {  	[tilespmem:s21], [sflag:$0x4] =	stream.linear.gather [hbm4b:s7+s3], $0x50, $0x38;
	[tilespmem:$0x19200] =	vst v63  }
0x26: {  	_ =	swait.ge [sflag:s22], $0x50  }
0x27: {  	[sflag:s22] =	ssyncset.done $0x0  }
0x28: {  	s1 =	sadd.s32 $0x0, s14;
	[sflag:s22] =	ssyncadd.s32 $0xFFFFFFB0  }
0x29: {  	[tilespmem:s23], [sflag:$0x4] =	stream.linear.gather [hbm4b:s1+s3], $0x50, $0x38;
	[tilespmem:$0x19200] =	vst v63  }
0x2a: {  	_ =	swait.ge [sflag:s22], $0x50  }
0x2b: {  	[sflag:s22] =	ssyncset.done $0x0  }
0x2c: {  	[sflag:s22] =	ssyncadd.s32 $0xFFFFFFB0  }
0x2d: {  	[tilespmem:s24], [sflag:$0x2] =	stream.indirect.gather [hbm4b:s4+s19], $0x80, s21, s19, $0xb8;
	[tilespmem:$0x19200] =	vst v63  }
0x2e: {  	_ =	swait.ge [sflag:s25], $0x2800  }
0x2f: {  	[sflag:s25] =	ssyncset.done $0x0  }
0x30: {  	[sflag:s25] =	ssyncadd.s32 $0xFFFFD800  }
0x31: {  	[spmem:s2] =	stream.indirect.scatter.add.f32 [tilespmem:s20], [sflag:$0x4], $0x80, s18, s19, $0xb8;
	[tilespmem:$0x19200] =	vst v63  }
0x32: {  	_ =	swait.ge [sflag:s22], $0x2800  }
0x33: {  	s7 =	sshrl.u32 s13, $0x3;
	[sflag:s22] =	ssyncset.done $0x0  }
0x34: {  	s29 =	sadd.s32 s5, s7;
	[sflag:s22] =	ssyncadd.s32 $0xFFFFD800  }
0x35: {  	[tilespmem:s3], [sflag:$0x4] =	stream.linear.gather [hbm4b:s29+s3], $0x50, $0x38;
	[tilespmem:$0x19200] =	vst v63  }
0x36: {  	_ =	swait.ge [sflag:s22], $0x50  }
0x37: {  	[sflag:s22] =	ssyncset.done $0x0  }
0x38: {  	s0 =	sadd.s32 s6, s7;
	[sflag:s22] =	ssyncadd.s32 $0xFFFFFFB0  }
0x39: {  	[tilespmem:s18], [sflag:$0x4] =	stream.linear.gather [hbm4b:s0+s3], $0x50, $0x38;
	[tilespmem:$0x19200] =	vst v63  }
0x3a: {  	_ =	swait.ge [sflag:s22], $0x50  }
0x3b: {  	[sflag:s22] =	ssyncset.done $0x0  }
0x3c: {  	[sflag:s22] =	ssyncadd.s32 $0xFFFFFFB0  }
0x3d: {  	[tilespmem:s20], [sflag:$0x1] =	stream.indirect.gather [hbm4b:s4+s19], $0x80, s3, s19, $0xb8;
	[tilespmem:$0x19200] =	vst v63  }
0x3e: {  	_ =	swait.ge [sflag:s26], $0x2800  }
0x3f: {  	[sflag:s26] =	ssyncset.done $0x0  }
0x40: {  	[sflag:s26] =	ssyncadd.s32 $0xFFFFD800  }
0x41: {  	[spmem:s2] =	stream.indirect.scatter.add.f32 [tilespmem:s24], [sflag:$0x3], $0x80, s23, s19, $0xb8;
	[tilespmem:$0x19200] =	vst v63  }
0x42: {  	s30 =	simm.s32 $0x14;
	_ =	swait.ge [sflag:s17], $0x2800  }
0x43: {  	s31 =	simm.s32 $0x28;
	s29 =	sadd.s32 $0xA0, s13;
	[sflag:s17] =	ssyncset.done $0x0  }
.LBB2_2:
0x44: {  	s1 =	sadd.s32 s30, s15  }
0x45: {  	[sflag:s17] =	ssyncadd.s32 $0xFFFFD800;
	s7 =	smov.u32 s31;
	s0 =	sadd.s32 $0x14, s31  }
0x46: {  	[tilespmem:s21], [sflag:$0x4] =	stream.linear.gather [hbm4b:s1+s3], $0x50, $0x38;
	[tilespmem:$0x19200] =	vst v63  }
0x47: {  	p0 =	sne.s32 s31, $0x4C4;
	_ =	swait.ge [sflag:s22], $0x50  }
0x48: {  	[sflag:s22] =	ssyncset.done $0x0  }
0x49: {  	s1 =	sadd.s32 s30, s14;
	s30 =	smov.u32 s7;
	[sflag:s22] =	ssyncadd.s32 $0xFFFFFFB0  }
0x4a: {  	[tilespmem:s23], [sflag:$0x4] =	stream.linear.gather [hbm4b:s1+s3], $0x50, $0x38;
	[tilespmem:$0x19200] =	vst v63  }
0x4b: {  	_ =	swait.ge [sflag:s22], $0x50  }
0x4c: {  	[sflag:s22] =	ssyncset.done $0x0  }
0x4d: {  	[sflag:s22] =	ssyncadd.s32 $0xFFFFFFB0  }
0x4e: {  	[tilespmem:s24], [sflag:$0x2] =	stream.indirect.gather [hbm4b:s4+s19], $0x80, s21, s19, $0xb8;
	[tilespmem:$0x19200] =	vst v63  }
0x4f: {  	_ =	swait.ge [sflag:s25], $0x2800  }
0x50: {  	[sflag:s25] =	ssyncset.done $0x0  }
0x51: {  	[sflag:s25] =	ssyncadd.s32 $0xFFFFD800  }
0x52: {  	[spmem:s2] =	stream.indirect.scatter.add.f32 [tilespmem:s20], [sflag:$0x4], $0x80, s18, s19, $0xb8;
	[tilespmem:$0x19200] =	vst v63  }
0x53: {  	_ =	swait.ge [sflag:s22], $0x2800  }
0x54: {  	s1 =	sshrl.u32 s29, $0x3;
	[sflag:s22] =	ssyncset.done $0x0  }
0x55: {  	s7 =	sadd.s32 s5, s1;
	[sflag:s22] =	ssyncadd.s32 $0xFFFFD800  }
0x56: {  	[tilespmem:s3], [sflag:$0x4] =	stream.linear.gather [hbm4b:s7+s3], $0x50, $0x38;
	[tilespmem:$0x19200] =	vst v63  }
0x57: {  	_ =	swait.ge [sflag:s22], $0x50  }
0x58: {  	[sflag:s22] =	ssyncset.done $0x0  }
0x59: {  	s1 =	sadd.s32 s6, s1;
	[sflag:s22] =	ssyncadd.s32 $0xFFFFFFB0  }
0x5a: {  	[tilespmem:s18], [sflag:$0x4] =	stream.linear.gather [hbm4b:s1+s3], $0x50, $0x38;
	[tilespmem:$0x19200] =	vst v63  }
0x5b: {  	_ =	swait.ge [sflag:s22], $0x50  }
0x5c: {  	[sflag:s22] =	ssyncset.done $0x0  }
0x5d: {  	[sflag:s22] =	ssyncadd.s32 $0xFFFFFFB0  }
0x5e: {  	[tilespmem:s20], [sflag:$0x1] =	stream.indirect.gather [hbm4b:s4+s19], $0x80, s3, s19, $0xb8;
	[tilespmem:$0x19200] =	vst v63  }
0x5f: {  	_ =	swait.ge [sflag:s26], $0x2800  }
.Ltmp0:
0x60: {  	[sflag:s26] =	ssyncset.done $0x0;
	(pc) =	sbr.rel @p0 .LBB2_2-.Ltmp0, $4  }
0x61: {  	[sflag:s26] =	ssyncadd.s32 $0xFFFFD800  }
0x62: {  	[spmem:s2] =	stream.indirect.scatter.add.f32 [tilespmem:s24], [sflag:$0x3], $0x80, s23, s19, $0xb8;
	[tilespmem:$0x19200] =	vst v63  }
0x63: {  	_ =	swait.ge [sflag:s17], $0x2800  }
0x64: {  	s31 =	smov.u32 s0;
	s29 =	sadd.s32 $0xA0, s29;
	[sflag:s17] =	ssyncset.done $0x0  }
0x65: {  	s0 =	sadd.s32 s30, s15;
	[sflag:s17] =	ssyncadd.s32 $0xFFFFD800  }
0x66: {  	[tilespmem:s21], [sflag:$0x4] =	stream.linear.gather [hbm4b:s0+s3], $0x50, $0x38;
	[tilespmem:$0x19200] =	vst v63  }
0x67: {  	_ =	swait.ge [sflag:s22], $0x50  }
0x68: {  	[sflag:s22] =	ssyncset.done $0x0  }
0x69: {  	s30 =	sadd.s32 s30, s14;
	[sflag:s22] =	ssyncadd.s32 $0xFFFFFFB0  }
0x6a: {  	[tilespmem:s23], [sflag:$0x4] =	stream.linear.gather [hbm4b:s30+s3], $0x50, $0x38;
	[tilespmem:$0x19200] =	vst v63  }
0x6b: {  	_ =	swait.ge [sflag:s22], $0x50  }
0x6c: {  	[sflag:s22] =	ssyncset.done $0x0  }
0x6d: {  	[sflag:s22] =	ssyncadd.s32 $0xFFFFFFB0  }
0x6e: {  	[tilespmem:s24], [sflag:$0x2] =	stream.indirect.gather [hbm4b:s4+s19], $0x80, s21, s19, $0xb8;
	[tilespmem:$0x19200] =	vst v63  }
0x6f: {  	_ =	swait.ge [sflag:s25], $0x2800  }
0x70: {  	[sflag:s25] =	ssyncset.done $0x0  }
0x71: {  	[sflag:s25] =	ssyncadd.s32 $0xFFFFD800  }
0x72: {  	[spmem:s2] =	stream.indirect.scatter.add.f32 [tilespmem:s20], [sflag:$0x4], $0x80, s18, s19, $0xb8;
	[tilespmem:$0x19200] =	vst v63  }
0x73: {  	_ =	swait.ge [sflag:s22], $0x2800  }
0x74: {  	s31 =	sshrl.u32 s29, $0x3;
	[sflag:s22] =	ssyncset.done $0x0  }
0x75: {  	s1 =	sadd.s32 s5, s31;
	[sflag:s22] =	ssyncadd.s32 $0xFFFFD800  }
0x76: {  	[tilespmem:s3], [sflag:$0x4] =	stream.linear.gather [hbm4b:s1+s3], $0x50, $0x38;
	[tilespmem:$0x19200] =	vst v63  }
0x77: {  	_ =	swait.ge [sflag:s22], $0x50  }
0x78: {  	[sflag:s22] =	ssyncset.done $0x0  }
0x79: {  	s0 =	sadd.s32 s6, s31;
	[sflag:s22] =	ssyncadd.s32 $0xFFFFFFB0  }
0x7a: {  	[tilespmem:s18], [sflag:$0x4] =	stream.linear.gather [hbm4b:s0+s3], $0x50, $0x38;
	[tilespmem:$0x19200] =	vst v63  }
0x7b: {  	_ =	swait.ge [sflag:s22], $0x50  }
0x7c: {  	[sflag:s22] =	ssyncset.done $0x0  }
0x7d: {  	[sflag:s22] =	ssyncadd.s32 $0xFFFFFFB0  }
0x7e: {  	[tilespmem:s20], [sflag:$0x1] =	stream.indirect.gather [hbm4b:s4+s19], $0x80, s3, s19, $0xb8;
	[tilespmem:$0x19200] =	vst v63  }
0x7f: {  	_ =	swait.ge [sflag:s26], $0x2800  }
0x80: {  	[sflag:s26] =	ssyncset.done $0x0  }
0x81: {  	[sflag:s26] =	ssyncadd.s32 $0xFFFFD800  }
0x82: {  	[spmem:s2] =	stream.indirect.scatter.add.f32 [tilespmem:s24], [sflag:$0x3], $0x80, s23, s19, $0xb8;
	[tilespmem:$0x19200] =	vst v63  }
0x83: {  	_ =	swait.ge [sflag:s17], $0x2800  }
0x84: {  	[sflag:s17] =	ssyncset.done $0x0  }
0x85: {  	[sflag:s17] =	ssyncadd.s32 $0xFFFFD800  }
0x86: {  	_ =	swait.ge [sflag:s25], $0x2800  }
0x87: {  	[sflag:s25] =	ssyncset.done $0x0  }
0x88: {  	[sflag:s25] =	ssyncadd.s32 $0xFFFFD800  }
0x89: {  	[spmem:s2] =	stream.indirect.scatter.add.f32 [tilespmem:s20], [sflag:$0x4], $0x80, s18, s19, $0xb8;
	[tilespmem:$0x19200] =	vst v63  }
0x8a: {  	_ =	swait.ge [sflag:s22], $0x2800  }
0x8b: {  	s28 =	sadd.s32 $0x1, s28;
	[sflag:s22] =	ssyncset.done $0x0  }
0x8c: {  	p0 =	sne.s32 s28, s12;
	[sflag:s22] =	ssyncadd.s32 $0xFFFFD800  }
.Ltmp1:
0x8d: {  	[bflag:$0x0] =	sbarrier.arrive $0xFFFF;
	(pc) =	sbr.rel @p0 .LBB2_1-.Ltmp1, $4  }
0x8e: {  	[hbm:s11], [sflag:s8] =	dma.local [spmem:s16], $0x2800  }
0x8f: {  	_ =	swait.ge [sflag:s17], $0x2800  }
0x90: {  	[sflag:s17] =	ssyncset.done $0x0  }
0x91: {  	[sflag:s17] =	ssyncadd.s32 $0xFFFFD800  }
0x92: {  	_ =	sfence.sel $0x180000  }
0x93: {  	[bflag:$0x0] =	sbarrier.arrive $0xFFFF  }
0x94: {  	_ =	strace $0x9000004A  }
0x95: {  	s0 =	stileid.u32;
	[bflag:$0x2] =	sbarrier.arrive $0xFFFF  }
0x96: {  	p0 =	sne.s32 s0, $0x0;
	s0 =	rddreg [dreg:$0x2]  }
0x97: {  	s0 =	sadd.s32 @!p0 $0x100000, s0  }
0x98: {  	[sflag:s0] =	ssyncadd.tile.s32 @!p0 $0x1;
	_ =	shalt  }
.Lfunc_end2:
_tile_overlayer_lowered:
.L_overlay_start_2:
0x99: {  	(tag) =	ssettag $0x2  }
0x9a: {  	s0 =	rddreg [dreg:$0x0];
	s2 =	stileid.u32  }
0x9b: {  	s1 =	rddreg [dreg:$0x1];
	p0 =	sne.s32 s2, $0x0  }
0x9c: {  	s3 =	rddreg [dreg:$0x2];
	[bflag:$0x3] =	sbarrier.arrive $0xFFFF;
	s2 =	simm.s32 @!p0 $0x1C03  }
0x9d: {  	[timem:s3], [sflag:s2] =	dma.local @!p0 [hbm:s0], s1  }
0x9e: {  	s0 =	simm.s32 @!p0 $0x3  }
0x9f: {  	_ =	swait.ge @!p0 [sflag:s0], s1  }
0xa0: {  	s1 =	ssub.s32 @!p0 $0x0, s1;
	[sflag:s0] =	ssyncset.done @!p0 $0x0  }
0xa1: {  	[sflag:s0] =	ssyncadd.s32 @!p0 s1  }
0xa2: {  	[bflag:$0x3] =	sbarrier.arrive $0xFFFF  }
0xa3: {  	_ =	shalt  }

</sc_bundles>
